<compile_context>
chip_gen: v7x
topology: tpu7x:2x2x1
jax: 0.10.2.dev20260603
libtpu: 0.0.44.dev20260713+nightly
codegen_flags: <defaults>
</compile_context>

<pallas_src>
import jax
import jax.numpy as jnp
import numpy as np
from jax import lax
from jax.experimental import pallas as pl
from jax.experimental.pallas import tpu as pltpu
from jax.experimental.pallas import tpu_sc as plsc

_NUM_LEVELS = 16
_MIN_RES = 16
_MAX_RES = 1024
_LOG2_HASHMAP_SIZE = 19
_TABLE = 2 ** _LOG2_HASHMAP_SIZE
_MASK = _TABLE - 1
_GROWTH = np.exp((np.log(_MAX_RES) - np.log(_MIN_RES)) / (_NUM_LEVELS - 1))
_SCALINGS = np.floor(_MIN_RES * _GROWTH ** np.arange(_NUM_LEVELS)).astype(np.float32)
_P2 = np.int32(np.uint32(2654435761))
_P3 = np.int32(805459861)

_N = 262144
_NC, _NS = 2, 16
_NW = _NC * _NS
_PW = _N // _NW
_C = 256
_CHUNKS = _PW // _C
_G16 = _C // 16
_SEG = 2 * _TABLE // _NS


def _body(in_t, table, out, shared, coords, offs0, offs1, idx0, idx1,
          rows0, rows1, outv, sem0, sem1):
  wid = lax.axis_index("s") * _NC + lax.axis_index("c")
  sid = lax.axis_index("s")
  offs = (offs0, offs1)
  idxb = (idx0, idx1)
  rows = (rows0, rows1)
  sems = (sem0, sem1)

  pbase = pl.multiple_of(wid * np.int32(_PW), _PW)
  for d in range(3):
    pltpu.sync_copy(in_t.at[pl.ds(pl.multiple_of(np.int32(d * _N) + pbase, _PW), _PW)],
                    coords.at[pl.ds(d * _PW, _PW)])

  def phase1(l, b, cbase):
    scale = float(_SCALINGS[l])

    def p1(g, _):
      s = pl.multiple_of(cbase + g * 16, 16)
      xv = coords[pl.ds(s, 16)]
      yv = coords[pl.ds(pl.multiple_of(_PW + s, 16), 16)]
      zv = coords[pl.ds(pl.multiple_of(2 * _PW + s, 16), 16)]
      sx = xv * scale
      sy = yv * scale
      sz = zv * scale
      fxi = sx.astype(jnp.int32)
      fyi = sy.astype(jnp.int32)
      fzi = sz.astype(jnp.int32)
      t = pl.multiple_of(g * 16, 16)
      offs[b][pl.ds(t, 16)] = sx - fxi.astype(jnp.float32)
      offs[b][pl.ds(pl.multiple_of(_C + t, 16), 16)] = sy - fyi.astype(jnp.float32)
      offs[b][pl.ds(pl.multiple_of(2 * _C + t, 16), 16)] = sz - fzi.astype(jnp.float32)
      ax0 = fxi
      ax1 = fxi + 1
      by0 = fyi * _P2
      by1 = by0 + _P2
      cz0 = fzi * _P3
      cz1 = cz0 + _P3
      tcc = by1 ^ cz1
      tfc = by0 ^ cz1
      tcf = by1 ^ cz0
      tff = by0 ^ cz0
      hs = (ax1 ^ tcc, ax1 ^ tfc, ax0 ^ tfc, ax0 ^ tcc,
            ax1 ^ tcf, ax1 ^ tff, ax0 ^ tff, ax0 ^ tcf)
      for c, h in enumerate(hs):
        e = (h & _MASK) * 2
        idxb[b][pl.ds(pl.multiple_of(c * _C + t, 16), 16)] = e
        idxb[b][pl.ds(pl.multiple_of(8 * _C + c * _C + t, 16), 16)] = e + 1
      return jnp.int32(0)

    lax.fori_loop(jnp.int32(0), jnp.int32(_G16), p1, jnp.int32(0))

  def gather_copy(b):
    return pltpu.make_async_copy(shared.at[idxb[b]], rows[b], sems[b])

  def phase2(l, b, cbase):
    def p2(g, _):
      t = pl.multiple_of(g * 16, 16)
      o0 = offs[b][pl.ds(t, 16)]
      o1 = offs[b][pl.ds(pl.multiple_of(_C + t, 16), 16)]
      o2 = offs[b][pl.ds(pl.multiple_of(2 * _C + t, 16), 16)]
      c0 = 1.0 - o0
      c1 = 1.0 - o1
      c2 = 1.0 - o2
      f = []
      for c in range(8):
        f.append((rows[b][pl.ds(pl.multiple_of(c * _C + t, 16), 16)],
                  rows[b][pl.ds(pl.multiple_of(8 * _C + c * _C + t, 16), 16)]))
      s = pl.multiple_of(cbase + g * 16, 16)
      for feat in range(2):
        f0, f1, f2, f3 = f[0][feat], f[1][feat], f[2][feat], f[3][feat]
        f4, f5, f6, f7 = f[4][feat], f[5][feat], f[6][feat], f[7][feat]
        f03 = f0 * o0 + f3 * c0
        f12 = f1 * o0 + f2 * c0
        f56 = f5 * o0 + f6 * c0
        f47 = f4 * o0 + f7 * c0
        f0312 = f03 * o1 + f12 * c1
        f4756 = f47 * o1 + f56 * c1
        enc = f0312 * o2 + f4756 * c2
        outv[pl.ds(pl.multiple_of(feat * _PW + s, 16), 16)] = enc
      return jnp.int32(0)

    lax.fori_loop(jnp.int32(0), jnp.int32(_G16), p2, jnp.int32(0))

  for l in range(_NUM_LEVELS):
    pass

    def pair_body(j, _, l=l):
      cb0 = pl.multiple_of((2 * j) * np.int32(_C), _C)
      cb1 = pl.multiple_of(cb0 + np.int32(_C), _C)
      phase1(l, 0, cb0)
      gather_copy(0).start()
      phase1(l, 1, cb1)
      gather_copy(1).start()
      gather_copy(0).wait()
      phase2(l, 0, cb0)
      gather_copy(1).wait()
      phase2(l, 1, cb1)
      return jnp.int32(0)

    pltpu.sync_copy(outv.at[pl.ds(0, _PW)],
                    out.at[pl.ds(pl.multiple_of((2 * l) * _N + pbase, _PW), _PW)])
    pltpu.sync_copy(outv.at[pl.ds(_PW, _PW)],
                    out.at[pl.ds(pl.multiple_of((2 * l + 1) * _N + pbase, _PW), _PW)])


@jax.jit
def _hash_encode(in_t, table):
  mesh = plsc.VectorSubcoreMesh(core_axis_name="c", subcore_axis_name="s",
                                num_cores=_NC, num_subcores=_NS)
  return pl.kernel(
      _body,
      out_type=jax.ShapeDtypeStruct((2 * _NUM_LEVELS * _N,), jnp.float32),
      mesh=mesh,
      compiler_params=pltpu.CompilerParams(use_tc_tiling_on_sc=False,
                                           needs_layout_passes=False),
      scratch_types=[
          pltpu.VMEM_SHARED((2 * _TABLE,), jnp.float32),
          pltpu.VMEM((3 * _PW,), jnp.float32),
          pltpu.VMEM((3 * _C,), jnp.float32),
          pltpu.VMEM((3 * _C,), jnp.float32),
          pltpu.VMEM((16 * _C,), jnp.int32),
          pltpu.VMEM((16 * _C,), jnp.int32),
          pltpu.VMEM((16 * _C,), jnp.float32),
          pltpu.VMEM((16 * _C,), jnp.float32),
          pltpu.VMEM((2 * _PW,), jnp.float32),
          pltpu.SemaphoreType.DMA,
          pltpu.SemaphoreType.DMA,
      ],
  )(in_t, table)


def kernel(in_tensor, hash_table):
  in_t = in_tensor.T.reshape(-1)
  out = _hash_encode(in_t, hash_table.reshape(-1))
  return out.reshape(2 * _NUM_LEVELS, _N).T.reshape(_N, 2 * _NUM_LEVELS)

# --- scband reference (transcript-rebuilt; emitter-appended) ---
"""Pipeline reference for scband-hash-encoding-32332513804722 (READ-ONLY COPY).

The authoritative reference and input builder live on the scoring server;
editing this copy changes nothing except your own understanding.
"""

import jax, jax.numpy as jnp
import numpy as np
jax.config.update("jax_enable_x64", True)

NUM_LEVELS = 16
MIN_RES = 16
MAX_RES = 1024
LOG2_HASHMAP_SIZE = 19
FEATURES_PER_LEVEL = 2
HASH_INIT_SCALE = 0.001
HASH_TABLE_SIZE = 2 ** LOG2_HASHMAP_SIZE
GROWTH = np.exp((np.log(MAX_RES) - np.log(MIN_RES)) / (NUM_LEVELS - 1))
SCALINGS = np.floor(MIN_RES * GROWTH ** np.arange(NUM_LEVELS)).astype(np.float32)
HASH_OFFSET = (np.arange(NUM_LEVELS) * HASH_TABLE_SIZE).astype(np.int64)
N_POINTS = 262144


def setup_inputs(seed: int = 0) -> dict:
    key = jax.random.key(seed)
    k1, k2 = jax.random.split(key)
    in_tensor = jax.random.uniform(k1, (N_POINTS, 3), dtype=jnp.float32)
    hash_table = (jax.random.uniform(k2, (HASH_TABLE_SIZE * NUM_LEVELS, FEATURES_PER_LEVEL), dtype=jnp.float32) * 2.0 - 1.0) * HASH_INIT_SCALE
    return {"in_tensor": in_tensor, "hash_table": hash_table}


def _hash_fn(x):
    # x: int64 [..., num_levels, 3]
    primes = jnp.array([1, 2654435761, 805459861], dtype=jnp.int64)
    x = x * primes
    h = jnp.bitwise_xor(x[..., 0], x[..., 1])
    h = jnp.bitwise_xor(h, x[..., 2])
    h = h % HASH_TABLE_SIZE
    h = h + jnp.asarray(HASH_OFFSET)
    return h


def _forward(in_tensor, hash_table):
    scalings = jnp.asarray(SCALINGS).reshape(-1, 1)
    x = in_tensor[..., None, :]                      # [N, 1, 3]
    scaled = x * scalings                            # [N, L, 3]
    scaled_c = jnp.ceil(scaled).astype(jnp.int64)
    scaled_f = jnp.floor(scaled).astype(jnp.int64)
    offset = scaled - scaled_f.astype(scaled.dtype)  # [N, L, 3]

    cx, cy, cz = scaled_c[..., 0], scaled_c[..., 1], scaled_c[..., 2]
    fx, fy, fz = scaled_f[..., 0], scaled_f[..., 1], scaled_f[..., 2]

    def cat(a, b, c):
        return jnp.stack([a, b, c], axis=-1)

    hashed_0 = _hash_fn(cat(cx, cy, cz))
    hashed_1 = _hash_fn(cat(cx, fy, cz))
    hashed_2 = _hash_fn(cat(fx, fy, cz))
    hashed_3 = _hash_fn(cat(fx, cy, cz))
    hashed_4 = _hash_fn(cat(cx, cy, fz))
    hashed_5 = _hash_fn(cat(cx, fy, fz))
    hashed_6 = _hash_fn(cat(fx, fy, fz))
    hashed_7 = _hash_fn(cat(fx, cy, fz))

    f_0 = jnp.take(hash_table, hashed_0, axis=0)
    f_1 = jnp.take(hash_table, hashed_1, axis=0)
    f_2 = jnp.take(hash_table, hashed_2, axis=0)
    f_3 = jnp.take(hash_table, hashed_3, axis=0)
    f_4 = jnp.take(hash_table, hashed_4, axis=0)
    f_5 = jnp.take(hash_table, hashed_5, axis=0)
    f_6 = jnp.take(hash_table, hashed_6, axis=0)
    f_7 = jnp.take(hash_table, hashed_7, axis=0)

    o0 = offset[..., 0:1]
    o1 = offset[..., 1:2]
    o2 = offset[..., 2:3]

    f_03 = f_0 * o0 + f_3 * (1 - o0)
    f_12 = f_1 * o0 + f_2 * (1 - o0)
    f_56 = f_5 * o0 + f_6 * (1 - o0)
    f_47 = f_4 * o0 + f_7 * (1 - o0)

    f0312 = f_03 * o1 + f_12 * (1 - o1)
    f4756 = f_47 * o1 + f_56 * (1 - o1)

    encoded_value = f0312 * o2 + f4756 * (1 - o2)    # [N, L, F]
    return encoded_value.reshape(encoded_value.shape[:-2] + (NUM_LEVELS * FEATURES_PER_LEVEL,))


def reference(in_tensor, hash_table):
    return _forward(in_tensor, hash_table)

if __name__ == "__main__":
    import jax
    _d = setup_inputs()
    print(jax.jit(kernel)(*tuple(_d.values())))

</pallas_src>

<mosaic_0001>
#map = affine_map<(d0, d1) -> (0)>
module attributes {stable_mosaic.version = 14 : i64} {
  func.func @_body(%arg0: i32, %arg1: i32, %arg2: memref<786432xf32, #tpu.memory_space<hbm>>, %arg3: memref<16777216xf32, #tpu.memory_space<hbm>>, %arg4: memref<8388608xf32, #tpu.memory_space<hbm>>, %arg5: memref<1048576xf32, #tpu.memory_space<vmem_shared>>, %arg6: memref<24576xf32, #tpu.memory_space<vmem>>, %arg7: memref<768xf32, #tpu.memory_space<vmem>>, %arg8: memref<768xf32, #tpu.memory_space<vmem>>, %arg9: memref<4096xi32, #tpu.memory_space<vmem>>, %arg10: memref<4096xi32, #tpu.memory_space<vmem>>, %arg11: memref<4096xf32, #tpu.memory_space<vmem>>, %arg12: memref<4096xf32, #tpu.memory_space<vmem>>, %arg13: memref<16384xf32, #tpu.memory_space<vmem>>, %arg14: memref<!tpu.dma_semaphore, #tpu.memory_space<semaphore_mem>>, %arg15: memref<!tpu.dma_semaphore, #tpu.memory_space<semaphore_mem>>) attributes {dimension_semantics = [#tpu.dimension_semantics<core_parallel>, #tpu.dimension_semantics<subcore_parallel>], iteration_bounds = array<i64: 2, 16>, scalar_prefetch = 0 : i64, scratch_operands = 11 : i64, tpu.core_type = #tpu.core_type<sc_vector_subcore>, window_params = [{transform_indices = #map}, {transform_indices = #map}, {transform_indices = #map}]} {
    %mul3A = arith.constant 2 : i32
    %mul3A_0 = arith.muli %arg1, %mul3A : i32
    %add3A = arith.addi %mul3A_0, %arg0 : i32
    %mul3A_1 = arith.constant 8192 : i32
    %mul3A_2 = arith.muli %add3A, %mul3A_1 : i32
    %multiple_of3A = tpu.assume_multiple %mul3A_2, 8192 : i32
    %add3A_3 = arith.constant 0 : i32
    %add3A_4 = arith.addi %add3A_3, %multiple_of3A : i32
    %multiple_of3A_5 = tpu.assume_multiple %add3A_4, 8192 : i32
    "tpu.region"() ({
      %run_scoped3A = tpu.sem_alloc : memref<!tpu.dma_semaphore, #tpu.memory_space<semaphore_mem>>
      %dma_start3A = arith.constant 0 : i32
      %dma_start3A_108 = tpu.memref_slice %arg6[%dma_start3A] : memref<24576xf32, #tpu.memory_space<vmem>> -> memref<8192xf32, #tpu.memory_space<vmem>>
      %dma_start3A_109 = tpu.memref_slice %arg2[%multiple_of3A_5] : memref<786432xf32, #tpu.memory_space<hbm>> -> memref<8192xf32, #tpu.memory_space<hbm>>
      %dma_start3A_110 = arith.constant 0 : i32
      %dma_start3A_111 = tpu.memref_slice %arg6[%dma_start3A_110] : memref<24576xf32, #tpu.memory_space<vmem>> -> memref<8192xf32, #tpu.memory_space<vmem>>
      %dma_start3A_112 = tpu.memref_slice %arg2[%multiple_of3A_5] : memref<786432xf32, #tpu.memory_space<hbm>> -> memref<8192xf32, #tpu.memory_space<hbm>>
      tpu.enqueue_dma source(%dma_start3A_112 : memref<8192xf32, #tpu.memory_space<hbm>>) target(%dma_start3A_111 : memref<8192xf32, #tpu.memory_space<vmem>>) target_semaphore(%run_scoped3A : memref<!tpu.dma_semaphore, #tpu.memory_space<semaphore_mem>>)
      %dma_wait3A = arith.constant 0 : i32
      %dma_wait3A_113 = tpu.memref_slice %arg6[%dma_wait3A] : memref<24576xf32, #tpu.memory_space<vmem>> -> memref<8192xf32, #tpu.memory_space<vmem>>
      %dma_wait3A_114 = tpu.memref_slice %arg2[%multiple_of3A_5] : memref<786432xf32, #tpu.memory_space<hbm>> -> memref<8192xf32, #tpu.memory_space<hbm>>
      %dma_wait3A_115 = arith.constant 0 : i32
      %dma_wait3A_116 = tpu.memref_slice %arg6[%dma_wait3A_115] : memref<24576xf32, #tpu.memory_space<vmem>> -> memref<8192xf32, #tpu.memory_space<vmem>>
      %dma_wait3A_117 = tpu.memref_slice %arg2[%multiple_of3A_5] : memref<786432xf32, #tpu.memory_space<hbm>> -> memref<8192xf32, #tpu.memory_space<hbm>>
      tpu.wait_dma2 semaphore(%run_scoped3A : memref<!tpu.dma_semaphore, #tpu.memory_space<semaphore_mem>>) src(%dma_wait3A_117 : memref<8192xf32, #tpu.memory_space<hbm>>) dst(%dma_wait3A_116 : memref<8192xf32, #tpu.memory_space<vmem>>)
      tpu.yield
    }) : () -> ()
    %add3A_6 = arith.constant 262144 : i32
    %add3A_7 = arith.addi %add3A_6, %multiple_of3A : i32
    %multiple_of3A_8 = tpu.assume_multiple %add3A_7, 8192 : i32
    "tpu.region"() ({
      %run_scoped3A = tpu.sem_alloc : memref<!tpu.dma_semaphore, #tpu.memory_space<semaphore_mem>>
      %dma_start3A = arith.constant 8192 : i32
      %dma_start3A_108 = tpu.memref_slice %arg6[%dma_start3A] : memref<24576xf32, #tpu.memory_space<vmem>> -> memref<8192xf32, #tpu.memory_space<vmem>>
      %dma_start3A_109 = tpu.memref_slice %arg2[%multiple_of3A_8] : memref<786432xf32, #tpu.memory_space<hbm>> -> memref<8192xf32, #tpu.memory_space<hbm>>
      %dma_start3A_110 = arith.constant 8192 : i32
      %dma_start3A_111 = tpu.memref_slice %arg6[%dma_start3A_110] : memref<24576xf32, #tpu.memory_space<vmem>> -> memref<8192xf32, #tpu.memory_space<vmem>>
      %dma_start3A_112 = tpu.memref_slice %arg2[%multiple_of3A_8] : memref<786432xf32, #tpu.memory_space<hbm>> -> memref<8192xf32, #tpu.memory_space<hbm>>
      tpu.enqueue_dma source(%dma_start3A_112 : memref<8192xf32, #tpu.memory_space<hbm>>) target(%dma_start3A_111 : memref<8192xf32, #tpu.memory_space<vmem>>) target_semaphore(%run_scoped3A : memref<!tpu.dma_semaphore, #tpu.memory_space<semaphore_mem>>)
      %dma_wait3A = arith.constant 8192 : i32
      %dma_wait3A_113 = tpu.memref_slice %arg6[%dma_wait3A] : memref<24576xf32, #tpu.memory_space<vmem>> -> memref<8192xf32, #tpu.memory_space<vmem>>
      %dma_wait3A_114 = tpu.memref_slice %arg2[%multiple_of3A_8] : memref<786432xf32, #tpu.memory_space<hbm>> -> memref<8192xf32, #tpu.memory_space<hbm>>
      %dma_wait3A_115 = arith.constant 8192 : i32
      %dma_wait3A_116 = tpu.memref_slice %arg6[%dma_wait3A_115] : memref<24576xf32, #tpu.memory_space<vmem>> -> memref<8192xf32, #tpu.memory_space<vmem>>
      %dma_wait3A_117 = tpu.memref_slice %arg2[%multiple_of3A_8] : memref<786432xf32, #tpu.memory_space<hbm>> -> memref<8192xf32, #tpu.memory_space<hbm>>
      tpu.wait_dma2 semaphore(%run_scoped3A : memref<!tpu.dma_semaphore, #tpu.memory_space<semaphore_mem>>) src(%dma_wait3A_117 : memref<8192xf32, #tpu.memory_space<hbm>>) dst(%dma_wait3A_116 : memref<8192xf32, #tpu.memory_space<vmem>>)
      tpu.yield
    }) : () -> ()
    %add3A_9 = arith.constant 524288 : i32
    %add3A_10 = arith.addi %add3A_9, %multiple_of3A : i32
    %multiple_of3A_11 = tpu.assume_multiple %add3A_10, 8192 : i32
    "tpu.region"() ({
      %run_scoped3A = tpu.sem_alloc : memref<!tpu.dma_semaphore, #tpu.memory_space<semaphore_mem>>
      %dma_start3A = arith.constant 16384 : i32
      %dma_start3A_108 = tpu.memref_slice %arg6[%dma_start3A] : memref<24576xf32, #tpu.memory_space<vmem>> -> memref<8192xf32, #tpu.memory_space<vmem>>
      %dma_start3A_109 = tpu.memref_slice %arg2[%multiple_of3A_11] : memref<786432xf32, #tpu.memory_space<hbm>> -> memref<8192xf32, #tpu.memory_space<hbm>>
      %dma_start3A_110 = arith.constant 16384 : i32
      %dma_start3A_111 = tpu.memref_slice %arg6[%dma_start3A_110] : memref<24576xf32, #tpu.memory_space<vmem>> -> memref<8192xf32, #tpu.memory_space<vmem>>
      %dma_start3A_112 = tpu.memref_slice %arg2[%multiple_of3A_11] : memref<786432xf32, #tpu.memory_space<hbm>> -> memref<8192xf32, #tpu.memory_space<hbm>>
      tpu.enqueue_dma source(%dma_start3A_112 : memref<8192xf32, #tpu.memory_space<hbm>>) target(%dma_start3A_111 : memref<8192xf32, #tpu.memory_space<vmem>>) target_semaphore(%run_scoped3A : memref<!tpu.dma_semaphore, #tpu.memory_space<semaphore_mem>>)
      %dma_wait3A = arith.constant 16384 : i32
      %dma_wait3A_113 = tpu.memref_slice %arg6[%dma_wait3A] : memref<24576xf32, #tpu.memory_space<vmem>> -> memref<8192xf32, #tpu.memory_space<vmem>>
      %dma_wait3A_114 = tpu.memref_slice %arg2[%multiple_of3A_11] : memref<786432xf32, #tpu.memory_space<hbm>> -> memref<8192xf32, #tpu.memory_space<hbm>>
      %dma_wait3A_115 = arith.constant 16384 : i32
      %dma_wait3A_116 = tpu.memref_slice %arg6[%dma_wait3A_115] : memref<24576xf32, #tpu.memory_space<vmem>> -> memref<8192xf32, #tpu.memory_space<vmem>>
      %dma_wait3A_117 = tpu.memref_slice %arg2[%multiple_of3A_11] : memref<786432xf32, #tpu.memory_space<hbm>> -> memref<8192xf32, #tpu.memory_space<hbm>>
      tpu.wait_dma2 semaphore(%run_scoped3A : memref<!tpu.dma_semaphore, #tpu.memory_space<semaphore_mem>>) src(%dma_wait3A_117 : memref<8192xf32, #tpu.memory_space<hbm>>) dst(%dma_wait3A_116 : memref<8192xf32, #tpu.memory_space<vmem>>)
      tpu.yield
    }) : () -> ()
    %add3A_12 = arith.constant 0 : i32
    %add3A_13 = arith.addi %add3A_12, %multiple_of3A : i32
    %multiple_of3A_14 = tpu.assume_multiple %add3A_13, 8192 : i32
    "tpu.region"() ({
      %run_scoped3A = tpu.sem_alloc : memref<!tpu.dma_semaphore, #tpu.memory_space<semaphore_mem>>
      %dma_start3A = arith.constant 0 : i32
      %dma_start3A_108 = tpu.memref_slice %arg13[%dma_start3A] : memref<16384xf32, #tpu.memory_space<vmem>> -> memref<8192xf32, #tpu.memory_space<vmem>>
      %dma_start3A_109 = tpu.memref_slice %arg4[%multiple_of3A_14] : memref<8388608xf32, #tpu.memory_space<hbm>> -> memref<8192xf32, #tpu.memory_space<hbm>>
      %dma_start3A_110 = tpu.memref_slice %arg4[%multiple_of3A_14] : memref<8388608xf32, #tpu.memory_space<hbm>> -> memref<8192xf32, #tpu.memory_space<hbm>>
      %dma_start3A_111 = arith.constant 0 : i32
      %dma_start3A_112 = tpu.memref_slice %arg13[%dma_start3A_111] : memref<16384xf32, #tpu.memory_space<vmem>> -> memref<8192xf32, #tpu.memory_space<vmem>>
      tpu.enqueue_dma source(%dma_start3A_112 : memref<8192xf32, #tpu.memory_space<vmem>>) target(%dma_start3A_110 : memref<8192xf32, #tpu.memory_space<hbm>>) target_semaphore(%run_scoped3A : memref<!tpu.dma_semaphore, #tpu.memory_space<semaphore_mem>>)
      %dma_wait3A = arith.constant 0 : i32
      %dma_wait3A_113 = tpu.memref_slice %arg13[%dma_wait3A] : memref<16384xf32, #tpu.memory_space<vmem>> -> memref<8192xf32, #tpu.memory_space<vmem>>
      %dma_wait3A_114 = tpu.memref_slice %arg4[%multiple_of3A_14] : memref<8388608xf32, #tpu.memory_space<hbm>> -> memref<8192xf32, #tpu.memory_space<hbm>>
      %dma_wait3A_115 = tpu.memref_slice %arg4[%multiple_of3A_14] : memref<8388608xf32, #tpu.memory_space<hbm>> -> memref<8192xf32, #tpu.memory_space<hbm>>
      %dma_wait3A_116 = arith.constant 0 : i32
      %dma_wait3A_117 = tpu.memref_slice %arg13[%dma_wait3A_116] : memref<16384xf32, #tpu.memory_space<vmem>> -> memref<8192xf32, #tpu.memory_space<vmem>>
      tpu.wait_dma2 semaphore(%run_scoped3A : memref<!tpu.dma_semaphore, #tpu.memory_space<semaphore_mem>>) src(%dma_wait3A_117 : memref<8192xf32, #tpu.memory_space<vmem>>) dst(%dma_wait3A_115 : memref<8192xf32, #tpu.memory_space<hbm>>)
      tpu.yield
    }) : () -> ()
    %add3A_15 = arith.constant 262144 : i32
    %add3A_16 = arith.addi %add3A_15, %multiple_of3A : i32
    %multiple_of3A_17 = tpu.assume_multiple %add3A_16, 8192 : i32
    "tpu.region"() ({
      %run_scoped3A = tpu.sem_alloc : memref<!tpu.dma_semaphore, #tpu.memory_space<semaphore_mem>>
      %dma_start3A = arith.constant 8192 : i32
      %dma_start3A_108 = tpu.memref_slice %arg13[%dma_start3A] : memref<16384xf32, #tpu.memory_space<vmem>> -> memref<8192xf32, #tpu.memory_space<vmem>>
      %dma_start3A_109 = tpu.memref_slice %arg4[%multiple_of3A_17] : memref<8388608xf32, #tpu.memory_space<hbm>> -> memref<8192xf32, #tpu.memory_space<hbm>>
      %dma_start3A_110 = tpu.memref_slice %arg4[%multiple_of3A_17] : memref<8388608xf32, #tpu.memory_space<hbm>> -> memref<8192xf32, #tpu.memory_space<hbm>>
      %dma_start3A_111 = arith.constant 8192 : i32
      %dma_start3A_112 = tpu.memref_slice %arg13[%dma_start3A_111] : memref<16384xf32, #tpu.memory_space<vmem>> -> memref<8192xf32, #tpu.memory_space<vmem>>
      tpu.enqueue_dma source(%dma_start3A_112 : memref<8192xf32, #tpu.memory_space<vmem>>) target(%dma_start3A_110 : memref<8192xf32, #tpu.memory_space<hbm>>) target_semaphore(%run_scoped3A : memref<!tpu.dma_semaphore, #tpu.memory_space<semaphore_mem>>)
      %dma_wait3A = arith.constant 8192 : i32
      %dma_wait3A_113 = tpu.memref_slice %arg13[%dma_wait3A] : memref<16384xf32, #tpu.memory_space<vmem>> -> memref<8192xf32, #tpu.memory_space<vmem>>
      %dma_wait3A_114 = tpu.memref_slice %arg4[%multiple_of3A_17] : memref<8388608xf32, #tpu.memory_space<hbm>> -> memref<8192xf32, #tpu.memory_space<hbm>>
      %dma_wait3A_115 = tpu.memref_slice %arg4[%multiple_of3A_17] : memref<8388608xf32, #tpu.memory_space<hbm>> -> memref<8192xf32, #tpu.memory_space<hbm>>
      %dma_wait3A_116 = arith.constant 8192 : i32
      %dma_wait3A_117 = tpu.memref_slice %arg13[%dma_wait3A_116] : memref<16384xf32, #tpu.memory_space<vmem>> -> memref<8192xf32, #tpu.memory_space<vmem>>
      tpu.wait_dma2 semaphore(%run_scoped3A : memref<!tpu.dma_semaphore, #tpu.memory_space<semaphore_mem>>) src(%dma_wait3A_117 : memref<8192xf32, #tpu.memory_space<vmem>>) dst(%dma_wait3A_115 : memref<8192xf32, #tpu.memory_space<hbm>>)
      tpu.yield
    }) : () -> ()
    %add3A_18 = arith.constant 524288 : i32
    %add3A_19 = arith.addi %add3A_18, %multiple_of3A : i32
    %multiple_of3A_20 = tpu.assume_multiple %add3A_19, 8192 : i32
    "tpu.region"() ({
      %run_scoped3A = tpu.sem_alloc : memref<!tpu.dma_semaphore, #tpu.memory_space<semaphore_mem>>
      %dma_start3A = arith.constant 0 : i32
      %dma_start3A_108 = tpu.memref_slice %arg13[%dma_start3A] : memref<16384xf32, #tpu.memory_space<vmem>> -> memref<8192xf32, #tpu.memory_space<vmem>>
      %dma_start3A_109 = tpu.memref_slice %arg4[%multiple_of3A_20] : memref<8388608xf32, #tpu.memory_space<hbm>> -> memref<8192xf32, #tpu.memory_space<hbm>>
      %dma_start3A_110 = tpu.memref_slice %arg4[%multiple_of3A_20] : memref<8388608xf32, #tpu.memory_space<hbm>> -> memref<8192xf32, #tpu.memory_space<hbm>>
      %dma_start3A_111 = arith.constant 0 : i32
      %dma_start3A_112 = tpu.memref_slice %arg13[%dma_start3A_111] : memref<16384xf32, #tpu.memory_space<vmem>> -> memref<8192xf32, #tpu.memory_space<vmem>>
      tpu.enqueue_dma source(%dma_start3A_112 : memref<8192xf32, #tpu.memory_space<vmem>>) target(%dma_start3A_110 : memref<8192xf32, #tpu.memory_space<hbm>>) target_semaphore(%run_scoped3A : memref<!tpu.dma_semaphore, #tpu.memory_space<semaphore_mem>>)
      %dma_wait3A = arith.constant 0 : i32
      %dma_wait3A_113 = tpu.memref_slice %arg13[%dma_wait3A] : memref<16384xf32, #tpu.memory_space<vmem>> -> memref<8192xf32, #tpu.memory_space<vmem>>
      %dma_wait3A_114 = tpu.memref_slice %arg4[%multiple_of3A_20] : memref<8388608xf32, #tpu.memory_space<hbm>> -> memref<8192xf32, #tpu.memory_space<hbm>>
      %dma_wait3A_115 = tpu.memref_slice %arg4[%multiple_of3A_20] : memref<8388608xf32, #tpu.memory_space<hbm>> -> memref<8192xf32, #tpu.memory_space<hbm>>
      %dma_wait3A_116 = arith.constant 0 : i32
      %dma_wait3A_117 = tpu.memref_slice %arg13[%dma_wait3A_116] : memref<16384xf32, #tpu.memory_space<vmem>> -> memref<8192xf32, #tpu.memory_space<vmem>>
      tpu.wait_dma2 semaphore(%run_scoped3A : memref<!tpu.dma_semaphore, #tpu.memory_space<semaphore_mem>>) src(%dma_wait3A_117 : memref<8192xf32, #tpu.memory_space<vmem>>) dst(%dma_wait3A_115 : memref<8192xf32, #tpu.memory_space<hbm>>)
      tpu.yield
    }) : () -> ()
    %add3A_21 = arith.constant 786432 : i32
    %add3A_22 = arith.addi %add3A_21, %multiple_of3A : i32
    %multiple_of3A_23 = tpu.assume_multiple %add3A_22, 8192 : i32
    "tpu.region"() ({
      %run_scoped3A = tpu.sem_alloc : memref<!tpu.dma_semaphore, #tpu.memory_space<semaphore_mem>>
      %dma_start3A = arith.constant 8192 : i32
      %dma_start3A_108 = tpu.memref_slice %arg13[%dma_start3A] : memref<16384xf32, #tpu.memory_space<vmem>> -> memref<8192xf32, #tpu.memory_space<vmem>>
      %dma_start3A_109 = tpu.memref_slice %arg4[%multiple_of3A_23] : memref<8388608xf32, #tpu.memory_space<hbm>> -> memref<8192xf32, #tpu.memory_space<hbm>>
      %dma_start3A_110 = tpu.memref_slice %arg4[%multiple_of3A_23] : memref<8388608xf32, #tpu.memory_space<hbm>> -> memref<8192xf32, #tpu.memory_space<hbm>>
      %dma_start3A_111 = arith.constant 8192 : i32
      %dma_start3A_112 = tpu.memref_slice %arg13[%dma_start3A_111] : memref<16384xf32, #tpu.memory_space<vmem>> -> memref<8192xf32, #tpu.memory_space<vmem>>
      tpu.enqueue_dma source(%dma_start3A_112 : memref<8192xf32, #tpu.memory_space<vmem>>) target(%dma_start3A_110 : memref<8192xf32, #tpu.memory_space<hbm>>) target_semaphore(%run_scoped3A : memref<!tpu.dma_semaphore, #tpu.memory_space<semaphore_mem>>)
      %dma_wait3A = arith.constant 8192 : i32
      %dma_wait3A_113 = tpu.memref_slice %arg13[%dma_wait3A] : memref<16384xf32, #tpu.memory_space<vmem>> -> memref<8192xf32, #tpu.memory_space<vmem>>
      %dma_wait3A_114 = tpu.memref_slice %arg4[%multiple_of3A_23] : memref<8388608xf32, #tpu.memory_space<hbm>> -> memref<8192xf32, #tpu.memory_space<hbm>>
      %dma_wait3A_115 = tpu.memref_slice %arg4[%multiple_of3A_23] : memref<8388608xf32, #tpu.memory_space<hbm>> -> memref<8192xf32, #tpu.memory_space<hbm>>
      %dma_wait3A_116 = arith.constant 8192 : i32
      %dma_wait3A_117 = tpu.memref_slice %arg13[%dma_wait3A_116] : memref<16384xf32, #tpu.memory_space<vmem>> -> memref<8192xf32, #tpu.memory_space<vmem>>
      tpu.wait_dma2 semaphore(%run_scoped3A : memref<!tpu.dma_semaphore, #tpu.memory_space<semaphore_mem>>) src(%dma_wait3A_117 : memref<8192xf32, #tpu.memory_space<vmem>>) dst(%dma_wait3A_115 : memref<8192xf32, #tpu.memory_space<hbm>>)
      tpu.yield
    }) : () -> ()
    %add3A_24 = arith.constant 1048576 : i32
    %add3A_25 = arith.addi %add3A_24, %multiple_of3A : i32
    %multiple_of3A_26 = tpu.assume_multiple %add3A_25, 8192 : i32
    "tpu.region"() ({
      %run_scoped3A = tpu.sem_alloc : memref<!tpu.dma_semaphore, #tpu.memory_space<semaphore_mem>>
      %dma_start3A = arith.constant 0 : i32
      %dma_start3A_108 = tpu.memref_slice %arg13[%dma_start3A] : memref<16384xf32, #tpu.memory_space<vmem>> -> memref<8192xf32, #tpu.memory_space<vmem>>
      %dma_start3A_109 = tpu.memref_slice %arg4[%multiple_of3A_26] : memref<8388608xf32, #tpu.memory_space<hbm>> -> memref<8192xf32, #tpu.memory_space<hbm>>
      %dma_start3A_110 = tpu.memref_slice %arg4[%multiple_of3A_26] : memref<8388608xf32, #tpu.memory_space<hbm>> -> memref<8192xf32, #tpu.memory_space<hbm>>
      %dma_start3A_111 = arith.constant 0 : i32
      %dma_start3A_112 = tpu.memref_slice %arg13[%dma_start3A_111] : memref<16384xf32, #tpu.memory_space<vmem>> -> memref<8192xf32, #tpu.memory_space<vmem>>
      tpu.enqueue_dma source(%dma_start3A_112 : memref<8192xf32, #tpu.memory_space<vmem>>) target(%dma_start3A_110 : memref<8192xf32, #tpu.memory_space<hbm>>) target_semaphore(%run_scoped3A : memref<!tpu.dma_semaphore, #tpu.memory_space<semaphore_mem>>)
      %dma_wait3A = arith.constant 0 : i32
      %dma_wait3A_113 = tpu.memref_slice %arg13[%dma_wait3A] : memref<16384xf32, #tpu.memory_space<vmem>> -> memref<8192xf32, #tpu.memory_space<vmem>>
      %dma_wait3A_114 = tpu.memref_slice %arg4[%multiple_of3A_26] : memref<8388608xf32, #tpu.memory_space<hbm>> -> memref<8192xf32, #tpu.memory_space<hbm>>
      %dma_wait3A_115 = tpu.memref_slice %arg4[%multiple_of3A_26] : memref<8388608xf32, #tpu.memory_space<hbm>> -> memref<8192xf32, #tpu.memory_space<hbm>>
      %dma_wait3A_116 = arith.constant 0 : i32
      %dma_wait3A_117 = tpu.memref_slice %arg13[%dma_wait3A_116] : memref<16384xf32, #tpu.memory_space<vmem>> -> memref<8192xf32, #tpu.memory_space<vmem>>
      tpu.wait_dma2 semaphore(%run_scoped3A : memref<!tpu.dma_semaphore, #tpu.memory_space<semaphore_mem>>) src(%dma_wait3A_117 : memref<8192xf32, #tpu.memory_space<vmem>>) dst(%dma_wait3A_115 : memref<8192xf32, #tpu.memory_space<hbm>>)
      tpu.yield
    }) : () -> ()
    %add3A_27 = arith.constant 1310720 : i32
    %add3A_28 = arith.addi %add3A_27, %multiple_of3A : i32
    %multiple_of3A_29 = tpu.assume_multiple %add3A_28, 8192 : i32
    "tpu.region"() ({
      %run_scoped3A = tpu.sem_alloc : memref<!tpu.dma_semaphore, #tpu.memory_space<semaphore_mem>>
      %dma_start3A = arith.constant 8192 : i32
      %dma_start3A_108 = tpu.memref_slice %arg13[%dma_start3A] : memref<16384xf32, #tpu.memory_space<vmem>> -> memref<8192xf32, #tpu.memory_space<vmem>>
      %dma_start3A_109 = tpu.memref_slice %arg4[%multiple_of3A_29] : memref<8388608xf32, #tpu.memory_space<hbm>> -> memref<8192xf32, #tpu.memory_space<hbm>>
      %dma_start3A_110 = tpu.memref_slice %arg4[%multiple_of3A_29] : memref<8388608xf32, #tpu.memory_space<hbm>> -> memref<8192xf32, #tpu.memory_space<hbm>>
      %dma_start3A_111 = arith.constant 8192 : i32
      %dma_start3A_112 = tpu.memref_slice %arg13[%dma_start3A_111] : memref<16384xf32, #tpu.memory_space<vmem>> -> memref<8192xf32, #tpu.memory_space<vmem>>
      tpu.enqueue_dma source(%dma_start3A_112 : memref<8192xf32, #tpu.memory_space<vmem>>) target(%dma_start3A_110 : memref<8192xf32, #tpu.memory_space<hbm>>) target_semaphore(%run_scoped3A : memref<!tpu.dma_semaphore, #tpu.memory_space<semaphore_mem>>)
      %dma_wait3A = arith.constant 8192 : i32
      %dma_wait3A_113 = tpu.memref_slice %arg13[%dma_wait3A] : memref<16384xf32, #tpu.memory_space<vmem>> -> memref<8192xf32, #tpu.memory_space<vmem>>
      %dma_wait3A_114 = tpu.memref_slice %arg4[%multiple_of3A_29] : memref<8388608xf32, #tpu.memory_space<hbm>> -> memref<8192xf32, #tpu.memory_space<hbm>>
      %dma_wait3A_115 = tpu.memref_slice %arg4[%multiple_of3A_29] : memref<8388608xf32, #tpu.memory_space<hbm>> -> memref<8192xf32, #tpu.memory_space<hbm>>
      %dma_wait3A_116 = arith.constant 8192 : i32
      %dma_wait3A_117 = tpu.memref_slice %arg13[%dma_wait3A_116] : memref<16384xf32, #tpu.memory_space<vmem>> -> memref<8192xf32, #tpu.memory_space<vmem>>
      tpu.wait_dma2 semaphore(%run_scoped3A : memref<!tpu.dma_semaphore, #tpu.memory_space<semaphore_mem>>) src(%dma_wait3A_117 : memref<8192xf32, #tpu.memory_space<vmem>>) dst(%dma_wait3A_115 : memref<8192xf32, #tpu.memory_space<hbm>>)
      tpu.yield
    }) : () -> ()
    %add3A_30 = arith.constant 1572864 : i32
    %add3A_31 = arith.addi %add3A_30, %multiple_of3A : i32
    %multiple_of3A_32 = tpu.assume_multiple %add3A_31, 8192 : i32
    "tpu.region"() ({
      %run_scoped3A = tpu.sem_alloc : memref<!tpu.dma_semaphore, #tpu.memory_space<semaphore_mem>>
      %dma_start3A = arith.constant 0 : i32
      %dma_start3A_108 = tpu.memref_slice %arg13[%dma_start3A] : memref<16384xf32, #tpu.memory_space<vmem>> -> memref<8192xf32, #tpu.memory_space<vmem>>
      %dma_start3A_109 = tpu.memref_slice %arg4[%multiple_of3A_32] : memref<8388608xf32, #tpu.memory_space<hbm>> -> memref<8192xf32, #tpu.memory_space<hbm>>
      %dma_start3A_110 = tpu.memref_slice %arg4[%multiple_of3A_32] : memref<8388608xf32, #tpu.memory_space<hbm>> -> memref<8192xf32, #tpu.memory_space<hbm>>
      %dma_start3A_111 = arith.constant 0 : i32
      %dma_start3A_112 = tpu.memref_slice %arg13[%dma_start3A_111] : memref<16384xf32, #tpu.memory_space<vmem>> -> memref<8192xf32, #tpu.memory_space<vmem>>
      tpu.enqueue_dma source(%dma_start3A_112 : memref<8192xf32, #tpu.memory_space<vmem>>) target(%dma_start3A_110 : memref<8192xf32, #tpu.memory_space<hbm>>) target_semaphore(%run_scoped3A : memref<!tpu.dma_semaphore, #tpu.memory_space<semaphore_mem>>)
      %dma_wait3A = arith.constant 0 : i32
      %dma_wait3A_113 = tpu.memref_slice %arg13[%dma_wait3A] : memref<16384xf32, #tpu.memory_space<vmem>> -> memref<8192xf32, #tpu.memory_space<vmem>>
      %dma_wait3A_114 = tpu.memref_slice %arg4[%multiple_of3A_32] : memref<8388608xf32, #tpu.memory_space<hbm>> -> memref<8192xf32, #tpu.memory_space<hbm>>
      %dma_wait3A_115 = tpu.memref_slice %arg4[%multiple_of3A_32] : memref<8388608xf32, #tpu.memory_space<hbm>> -> memref<8192xf32, #tpu.memory_space<hbm>>
      %dma_wait3A_116 = arith.constant 0 : i32
      %dma_wait3A_117 = tpu.memref_slice %arg13[%dma_wait3A_116] : memref<16384xf32, #tpu.memory_space<vmem>> -> memref<8192xf32, #tpu.memory_space<vmem>>
      tpu.wait_dma2 semaphore(%run_scoped3A : memref<!tpu.dma_semaphore, #tpu.memory_space<semaphore_mem>>) src(%dma_wait3A_117 : memref<8192xf32, #tpu.memory_space<vmem>>) dst(%dma_wait3A_115 : memref<8192xf32, #tpu.memory_space<hbm>>)
      tpu.yield
    }) : () -> ()
    %add3A_33 = arith.constant 1835008 : i32
    %add3A_34 = arith.addi %add3A_33, %multiple_of3A : i32
    %multiple_of3A_35 = tpu.assume_multiple %add3A_34, 8192 : i32
    "tpu.region"() ({
      %run_scoped3A = tpu.sem_alloc : memref<!tpu.dma_semaphore, #tpu.memory_space<semaphore_mem>>
      %dma_start3A = arith.constant 8192 : i32
      %dma_start3A_108 = tpu.memref_slice %arg13[%dma_start3A] : memref<16384xf32, #tpu.memory_space<vmem>> -> memref<8192xf32, #tpu.memory_space<vmem>>
      %dma_start3A_109 = tpu.memref_slice %arg4[%multiple_of3A_35] : memref<8388608xf32, #tpu.memory_space<hbm>> -> memref<8192xf32, #tpu.memory_space<hbm>>
      %dma_start3A_110 = tpu.memref_slice %arg4[%multiple_of3A_35] : memref<8388608xf32, #tpu.memory_space<hbm>> -> memref<8192xf32, #tpu.memory_space<hbm>>
      %dma_start3A_111 = arith.constant 8192 : i32
      %dma_start3A_112 = tpu.memref_slice %arg13[%dma_start3A_111] : memref<16384xf32, #tpu.memory_space<vmem>> -> memref<8192xf32, #tpu.memory_space<vmem>>
      tpu.enqueue_dma source(%dma_start3A_112 : memref<8192xf32, #tpu.memory_space<vmem>>) target(%dma_start3A_110 : memref<8192xf32, #tpu.memory_space<hbm>>) target_semaphore(%run_scoped3A : memref<!tpu.dma_semaphore, #tpu.memory_space<semaphore_mem>>)
      %dma_wait3A = arith.constant 8192 : i32
      %dma_wait3A_113 = tpu.memref_slice %arg13[%dma_wait3A] : memref<16384xf32, #tpu.memory_space<vmem>> -> memref<8192xf32, #tpu.memory_space<vmem>>
      %dma_wait3A_114 = tpu.memref_slice %arg4[%multiple_of3A_35] : memref<8388608xf32, #tpu.memory_space<hbm>> -> memref<8192xf32, #tpu.memory_space<hbm>>
      %dma_wait3A_115 = tpu.memref_slice %arg4[%multiple_of3A_35] : memref<8388608xf32, #tpu.memory_space<hbm>> -> memref<8192xf32, #tpu.memory_space<hbm>>
      %dma_wait3A_116 = arith.constant 8192 : i32
      %dma_wait3A_117 = tpu.memref_slice %arg13[%dma_wait3A_116] : memref<16384xf32, #tpu.memory_space<vmem>> -> memref<8192xf32, #tpu.memory_space<vmem>>
      tpu.wait_dma2 semaphore(%run_scoped3A : memref<!tpu.dma_semaphore, #tpu.memory_space<semaphore_mem>>) src(%dma_wait3A_117 : memref<8192xf32, #tpu.memory_space<vmem>>) dst(%dma_wait3A_115 : memref<8192xf32, #tpu.memory_space<hbm>>)
      tpu.yield
    }) : () -> ()
    %add3A_36 = arith.constant 2097152 : i32
    %add3A_37 = arith.addi %add3A_36, %multiple_of3A : i32
    %multiple_of3A_38 = tpu.assume_multiple %add3A_37, 8192 : i32
    "tpu.region"() ({
      %run_scoped3A = tpu.sem_alloc : memref<!tpu.dma_semaphore, #tpu.memory_space<semaphore_mem>>
      %dma_start3A = arith.constant 0 : i32
      %dma_start3A_108 = tpu.memref_slice %arg13[%dma_start3A] : memref<16384xf32, #tpu.memory_space<vmem>> -> memref<8192xf32, #tpu.memory_space<vmem>>
      %dma_start3A_109 = tpu.memref_slice %arg4[%multiple_of3A_38] : memref<8388608xf32, #tpu.memory_space<hbm>> -> memref<8192xf32, #tpu.memory_space<hbm>>
      %dma_start3A_110 = tpu.memref_slice %arg4[%multiple_of3A_38] : memref<8388608xf32, #tpu.memory_space<hbm>> -> memref<8192xf32, #tpu.memory_space<hbm>>
      %dma_start3A_111 = arith.constant 0 : i32
      %dma_start3A_112 = tpu.memref_slice %arg13[%dma_start3A_111] : memref<16384xf32, #tpu.memory_space<vmem>> -> memref<8192xf32, #tpu.memory_space<vmem>>
      tpu.enqueue_dma source(%dma_start3A_112 : memref<8192xf32, #tpu.memory_space<vmem>>) target(%dma_start3A_110 : memref<8192xf32, #tpu.memory_space<hbm>>) target_semaphore(%run_scoped3A : memref<!tpu.dma_semaphore, #tpu.memory_space<semaphore_mem>>)
      %dma_wait3A = arith.constant 0 : i32
      %dma_wait3A_113 = tpu.memref_slice %arg13[%dma_wait3A] : memref<16384xf32, #tpu.memory_space<vmem>> -> memref<8192xf32, #tpu.memory_space<vmem>>
      %dma_wait3A_114 = tpu.memref_slice %arg4[%multiple_of3A_38] : memref<8388608xf32, #tpu.memory_space<hbm>> -> memref<8192xf32, #tpu.memory_space<hbm>>
      %dma_wait3A_115 = tpu.memref_slice %arg4[%multiple_of3A_38] : memref<8388608xf32, #tpu.memory_space<hbm>> -> memref<8192xf32, #tpu.memory_space<hbm>>
      %dma_wait3A_116 = arith.constant 0 : i32
      %dma_wait3A_117 = tpu.memref_slice %arg13[%dma_wait3A_116] : memref<16384xf32, #tpu.memory_space<vmem>> -> memref<8192xf32, #tpu.memory_space<vmem>>
      tpu.wait_dma2 semaphore(%run_scoped3A : memref<!tpu.dma_semaphore, #tpu.memory_space<semaphore_mem>>) src(%dma_wait3A_117 : memref<8192xf32, #tpu.memory_space<vmem>>) dst(%dma_wait3A_115 : memref<8192xf32, #tpu.memory_space<hbm>>)
      tpu.yield
    }) : () -> ()
    %add3A_39 = arith.constant 2359296 : i32
    %add3A_40 = arith.addi %add3A_39, %multiple_of3A : i32
    %multiple_of3A_41 = tpu.assume_multiple %add3A_40, 8192 : i32
    "tpu.region"() ({
      %run_scoped3A = tpu.sem_alloc : memref<!tpu.dma_semaphore, #tpu.memory_space<semaphore_mem>>
      %dma_start3A = arith.constant 8192 : i32
      %dma_start3A_108 = tpu.memref_slice %arg13[%dma_start3A] : memref<16384xf32, #tpu.memory_space<vmem>> -> memref<8192xf32, #tpu.memory_space<vmem>>
      %dma_start3A_109 = tpu.memref_slice %arg4[%multiple_of3A_41] : memref<8388608xf32, #tpu.memory_space<hbm>> -> memref<8192xf32, #tpu.memory_space<hbm>>
      %dma_start3A_110 = tpu.memref_slice %arg4[%multiple_of3A_41] : memref<8388608xf32, #tpu.memory_space<hbm>> -> memref<8192xf32, #tpu.memory_space<hbm>>
      %dma_start3A_111 = arith.constant 8192 : i32
      %dma_start3A_112 = tpu.memref_slice %arg13[%dma_start3A_111] : memref<16384xf32, #tpu.memory_space<vmem>> -> memref<8192xf32, #tpu.memory_space<vmem>>
      tpu.enqueue_dma source(%dma_start3A_112 : memref<8192xf32, #tpu.memory_space<vmem>>) target(%dma_start3A_110 : memref<8192xf32, #tpu.memory_space<hbm>>) target_semaphore(%run_scoped3A : memref<!tpu.dma_semaphore, #tpu.memory_space<semaphore_mem>>)
      %dma_wait3A = arith.constant 8192 : i32
      %dma_wait3A_113 = tpu.memref_slice %arg13[%dma_wait3A] : memref<16384xf32, #tpu.memory_space<vmem>> -> memref<8192xf32, #tpu.memory_space<vmem>>
      %dma_wait3A_114 = tpu.memref_slice %arg4[%multiple_of3A_41] : memref<8388608xf32, #tpu.memory_space<hbm>> -> memref<8192xf32, #tpu.memory_space<hbm>>
      %dma_wait3A_115 = tpu.memref_slice %arg4[%multiple_of3A_41] : memref<8388608xf32, #tpu.memory_space<hbm>> -> memref<8192xf32, #tpu.memory_space<hbm>>
      %dma_wait3A_116 = arith.constant 8192 : i32
      %dma_wait3A_117 = tpu.memref_slice %arg13[%dma_wait3A_116] : memref<16384xf32, #tpu.memory_space<vmem>> -> memref<8192xf32, #tpu.memory_space<vmem>>
      tpu.wait_dma2 semaphore(%run_scoped3A : memref<!tpu.dma_semaphore, #tpu.memory_space<semaphore_mem>>) src(%dma_wait3A_117 : memref<8192xf32, #tpu.memory_space<vmem>>) dst(%dma_wait3A_115 : memref<8192xf32, #tpu.memory_space<hbm>>)
      tpu.yield
    }) : () -> ()
    %add3A_42 = arith.constant 2621440 : i32
    %add3A_43 = arith.addi %add3A_42, %multiple_of3A : i32
    %multiple_of3A_44 = tpu.assume_multiple %add3A_43, 8192 : i32
    "tpu.region"() ({
      %run_scoped3A = tpu.sem_alloc : memref<!tpu.dma_semaphore, #tpu.memory_space<semaphore_mem>>
      %dma_start3A = arith.constant 0 : i32
      %dma_start3A_108 = tpu.memref_slice %arg13[%dma_start3A] : memref<16384xf32, #tpu.memory_space<vmem>> -> memref<8192xf32, #tpu.memory_space<vmem>>
      %dma_start3A_109 = tpu.memref_slice %arg4[%multiple_of3A_44] : memref<8388608xf32, #tpu.memory_space<hbm>> -> memref<8192xf32, #tpu.memory_space<hbm>>
      %dma_start3A_110 = tpu.memref_slice %arg4[%multiple_of3A_44] : memref<8388608xf32, #tpu.memory_space<hbm>> -> memref<8192xf32, #tpu.memory_space<hbm>>
      %dma_start3A_111 = arith.constant 0 : i32
      %dma_start3A_112 = tpu.memref_slice %arg13[%dma_start3A_111] : memref<16384xf32, #tpu.memory_space<vmem>> -> memref<8192xf32, #tpu.memory_space<vmem>>
      tpu.enqueue_dma source(%dma_start3A_112 : memref<8192xf32, #tpu.memory_space<vmem>>) target(%dma_start3A_110 : memref<8192xf32, #tpu.memory_space<hbm>>) target_semaphore(%run_scoped3A : memref<!tpu.dma_semaphore, #tpu.memory_space<semaphore_mem>>)
      %dma_wait3A = arith.constant 0 : i32
      %dma_wait3A_113 = tpu.memref_slice %arg13[%dma_wait3A] : memref<16384xf32, #tpu.memory_space<vmem>> -> memref<8192xf32, #tpu.memory_space<vmem>>
      %dma_wait3A_114 = tpu.memref_slice %arg4[%multiple_of3A_44] : memref<8388608xf32, #tpu.memory_space<hbm>> -> memref<8192xf32, #tpu.memory_space<hbm>>
      %dma_wait3A_115 = tpu.memref_slice %arg4[%multiple_of3A_44] : memref<8388608xf32, #tpu.memory_space<hbm>> -> memref<8192xf32, #tpu.memory_space<hbm>>
      %dma_wait3A_116 = arith.constant 0 : i32
      %dma_wait3A_117 = tpu.memref_slice %arg13[%dma_wait3A_116] : memref<16384xf32, #tpu.memory_space<vmem>> -> memref<8192xf32, #tpu.memory_space<vmem>>
      tpu.wait_dma2 semaphore(%run_scoped3A : memref<!tpu.dma_semaphore, #tpu.memory_space<semaphore_mem>>) src(%dma_wait3A_117 : memref<8192xf32, #tpu.memory_space<vmem>>) dst(%dma_wait3A_115 : memref<8192xf32, #tpu.memory_space<hbm>>)
      tpu.yield
    }) : () -> ()
    %add3A_45 = arith.constant 2883584 : i32
    %add3A_46 = arith.addi %add3A_45, %multiple_of3A : i32
    %multiple_of3A_47 = tpu.assume_multiple %add3A_46, 8192 : i32
    "tpu.region"() ({
      %run_scoped3A = tpu.sem_alloc : memref<!tpu.dma_semaphore, #tpu.memory_space<semaphore_mem>>
      %dma_start3A = arith.constant 8192 : i32
      %dma_start3A_108 = tpu.memref_slice %arg13[%dma_start3A] : memref<16384xf32, #tpu.memory_space<vmem>> -> memref<8192xf32, #tpu.memory_space<vmem>>
      %dma_start3A_109 = tpu.memref_slice %arg4[%multiple_of3A_47] : memref<8388608xf32, #tpu.memory_space<hbm>> -> memref<8192xf32, #tpu.memory_space<hbm>>
      %dma_start3A_110 = tpu.memref_slice %arg4[%multiple_of3A_47] : memref<8388608xf32, #tpu.memory_space<hbm>> -> memref<8192xf32, #tpu.memory_space<hbm>>
      %dma_start3A_111 = arith.constant 8192 : i32
      %dma_start3A_112 = tpu.memref_slice %arg13[%dma_start3A_111] : memref<16384xf32, #tpu.memory_space<vmem>> -> memref<8192xf32, #tpu.memory_space<vmem>>
      tpu.enqueue_dma source(%dma_start3A_112 : memref<8192xf32, #tpu.memory_space<vmem>>) target(%dma_start3A_110 : memref<8192xf32, #tpu.memory_space<hbm>>) target_semaphore(%run_scoped3A : memref<!tpu.dma_semaphore, #tpu.memory_space<semaphore_mem>>)
      %dma_wait3A = arith.constant 8192 : i32
      %dma_wait3A_113 = tpu.memref_slice %arg13[%dma_wait3A] : memref<16384xf32, #tpu.memory_space<vmem>> -> memref<8192xf32, #tpu.memory_space<vmem>>
      %dma_wait3A_114 = tpu.memref_slice %arg4[%multiple_of3A_47] : memref<8388608xf32, #tpu.memory_space<hbm>> -> memref<8192xf32, #tpu.memory_space<hbm>>
      %dma_wait3A_115 = tpu.memref_slice %arg4[%multiple_of3A_47] : memref<8388608xf32, #tpu.memory_space<hbm>> -> memref<8192xf32, #tpu.memory_space<hbm>>
      %dma_wait3A_116 = arith.constant 8192 : i32
      %dma_wait3A_117 = tpu.memref_slice %arg13[%dma_wait3A_116] : memref<16384xf32, #tpu.memory_space<vmem>> -> memref<8192xf32, #tpu.memory_space<vmem>>
      tpu.wait_dma2 semaphore(%run_scoped3A : memref<!tpu.dma_semaphore, #tpu.memory_space<semaphore_mem>>) src(%dma_wait3A_117 : memref<8192xf32, #tpu.memory_space<vmem>>) dst(%dma_wait3A_115 : memref<8192xf32, #tpu.memory_space<hbm>>)
      tpu.yield
    }) : () -> ()
    %add3A_48 = arith.constant 3145728 : i32
    %add3A_49 = arith.addi %add3A_48, %multiple_of3A : i32
    %multiple_of3A_50 = tpu.assume_multiple %add3A_49, 8192 : i32
    "tpu.region"() ({
      %run_scoped3A = tpu.sem_alloc : memref<!tpu.dma_semaphore, #tpu.memory_space<semaphore_mem>>
      %dma_start3A = arith.constant 0 : i32
      %dma_start3A_108 = tpu.memref_slice %arg13[%dma_start3A] : memref<16384xf32, #tpu.memory_space<vmem>> -> memref<8192xf32, #tpu.memory_space<vmem>>
      %dma_start3A_109 = tpu.memref_slice %arg4[%multiple_of3A_50] : memref<8388608xf32, #tpu.memory_space<hbm>> -> memref<8192xf32, #tpu.memory_space<hbm>>
      %dma_start3A_110 = tpu.memref_slice %arg4[%multiple_of3A_50] : memref<8388608xf32, #tpu.memory_space<hbm>> -> memref<8192xf32, #tpu.memory_space<hbm>>
      %dma_start3A_111 = arith.constant 0 : i32
      %dma_start3A_112 = tpu.memref_slice %arg13[%dma_start3A_111] : memref<16384xf32, #tpu.memory_space<vmem>> -> memref<8192xf32, #tpu.memory_space<vmem>>
      tpu.enqueue_dma source(%dma_start3A_112 : memref<8192xf32, #tpu.memory_space<vmem>>) target(%dma_start3A_110 : memref<8192xf32, #tpu.memory_space<hbm>>) target_semaphore(%run_scoped3A : memref<!tpu.dma_semaphore, #tpu.memory_space<semaphore_mem>>)
      %dma_wait3A = arith.constant 0 : i32
      %dma_wait3A_113 = tpu.memref_slice %arg13[%dma_wait3A] : memref<16384xf32, #tpu.memory_space<vmem>> -> memref<8192xf32, #tpu.memory_space<vmem>>
      %dma_wait3A_114 = tpu.memref_slice %arg4[%multiple_of3A_50] : memref<8388608xf32, #tpu.memory_space<hbm>> -> memref<8192xf32, #tpu.memory_space<hbm>>
      %dma_wait3A_115 = tpu.memref_slice %arg4[%multiple_of3A_50] : memref<8388608xf32, #tpu.memory_space<hbm>> -> memref<8192xf32, #tpu.memory_space<hbm>>
      %dma_wait3A_116 = arith.constant 0 : i32
      %dma_wait3A_117 = tpu.memref_slice %arg13[%dma_wait3A_116] : memref<16384xf32, #tpu.memory_space<vmem>> -> memref<8192xf32, #tpu.memory_space<vmem>>
      tpu.wait_dma2 semaphore(%run_scoped3A : memref<!tpu.dma_semaphore, #tpu.memory_space<semaphore_mem>>) src(%dma_wait3A_117 : memref<8192xf32, #tpu.memory_space<vmem>>) dst(%dma_wait3A_115 : memref<8192xf32, #tpu.memory_space<hbm>>)
      tpu.yield
    }) : () -> ()
    %add3A_51 = arith.constant 3407872 : i32
    %add3A_52 = arith.addi %add3A_51, %multiple_of3A : i32
    %multiple_of3A_53 = tpu.assume_multiple %add3A_52, 8192 : i32
    "tpu.region"() ({
      %run_scoped3A = tpu.sem_alloc : memref<!tpu.dma_semaphore, #tpu.memory_space<semaphore_mem>>
      %dma_start3A = arith.constant 8192 : i32
      %dma_start3A_108 = tpu.memref_slice %arg13[%dma_start3A] : memref<16384xf32, #tpu.memory_space<vmem>> -> memref<8192xf32, #tpu.memory_space<vmem>>
      %dma_start3A_109 = tpu.memref_slice %arg4[%multiple_of3A_53] : memref<8388608xf32, #tpu.memory_space<hbm>> -> memref<8192xf32, #tpu.memory_space<hbm>>
      %dma_start3A_110 = tpu.memref_slice %arg4[%multiple_of3A_53] : memref<8388608xf32, #tpu.memory_space<hbm>> -> memref<8192xf32, #tpu.memory_space<hbm>>
      %dma_start3A_111 = arith.constant 8192 : i32
      %dma_start3A_112 = tpu.memref_slice %arg13[%dma_start3A_111] : memref<16384xf32, #tpu.memory_space<vmem>> -> memref<8192xf32, #tpu.memory_space<vmem>>
      tpu.enqueue_dma source(%dma_start3A_112 : memref<8192xf32, #tpu.memory_space<vmem>>) target(%dma_start3A_110 : memref<8192xf32, #tpu.memory_space<hbm>>) target_semaphore(%run_scoped3A : memref<!tpu.dma_semaphore, #tpu.memory_space<semaphore_mem>>)
      %dma_wait3A = arith.constant 8192 : i32
      %dma_wait3A_113 = tpu.memref_slice %arg13[%dma_wait3A] : memref<16384xf32, #tpu.memory_space<vmem>> -> memref<8192xf32, #tpu.memory_space<vmem>>
      %dma_wait3A_114 = tpu.memref_slice %arg4[%multiple_of3A_53] : memref<8388608xf32, #tpu.memory_space<hbm>> -> memref<8192xf32, #tpu.memory_space<hbm>>
      %dma_wait3A_115 = tpu.memref_slice %arg4[%multiple_of3A_53] : memref<8388608xf32, #tpu.memory_space<hbm>> -> memref<8192xf32, #tpu.memory_space<hbm>>
      %dma_wait3A_116 = arith.constant 8192 : i32
      %dma_wait3A_117 = tpu.memref_slice %arg13[%dma_wait3A_116] : memref<16384xf32, #tpu.memory_space<vmem>> -> memref<8192xf32, #tpu.memory_space<vmem>>
      tpu.wait_dma2 semaphore(%run_scoped3A : memref<!tpu.dma_semaphore, #tpu.memory_space<semaphore_mem>>) src(%dma_wait3A_117 : memref<8192xf32, #tpu.memory_space<vmem>>) dst(%dma_wait3A_115 : memref<8192xf32, #tpu.memory_space<hbm>>)
      tpu.yield
    }) : () -> ()
    %add3A_54 = arith.constant 3670016 : i32
    %add3A_55 = arith.addi %add3A_54, %multiple_of3A : i32
    %multiple_of3A_56 = tpu.assume_multiple %add3A_55, 8192 : i32
    "tpu.region"() ({
      %run_scoped3A = tpu.sem_alloc : memref<!tpu.dma_semaphore, #tpu.memory_space<semaphore_mem>>
      %dma_start3A = arith.constant 0 : i32
      %dma_start3A_108 = tpu.memref_slice %arg13[%dma_start3A] : memref<16384xf32, #tpu.memory_space<vmem>> -> memref<8192xf32, #tpu.memory_space<vmem>>
      %dma_start3A_109 = tpu.memref_slice %arg4[%multiple_of3A_56] : memref<8388608xf32, #tpu.memory_space<hbm>> -> memref<8192xf32, #tpu.memory_space<hbm>>
      %dma_start3A_110 = tpu.memref_slice %arg4[%multiple_of3A_56] : memref<8388608xf32, #tpu.memory_space<hbm>> -> memref<8192xf32, #tpu.memory_space<hbm>>
      %dma_start3A_111 = arith.constant 0 : i32
      %dma_start3A_112 = tpu.memref_slice %arg13[%dma_start3A_111] : memref<16384xf32, #tpu.memory_space<vmem>> -> memref<8192xf32, #tpu.memory_space<vmem>>
      tpu.enqueue_dma source(%dma_start3A_112 : memref<8192xf32, #tpu.memory_space<vmem>>) target(%dma_start3A_110 : memref<8192xf32, #tpu.memory_space<hbm>>) target_semaphore(%run_scoped3A : memref<!tpu.dma_semaphore, #tpu.memory_space<semaphore_mem>>)
      %dma_wait3A = arith.constant 0 : i32
      %dma_wait3A_113 = tpu.memref_slice %arg13[%dma_wait3A] : memref<16384xf32, #tpu.memory_space<vmem>> -> memref<8192xf32, #tpu.memory_space<vmem>>
      %dma_wait3A_114 = tpu.memref_slice %arg4[%multiple_of3A_56] : memref<8388608xf32, #tpu.memory_space<hbm>> -> memref<8192xf32, #tpu.memory_space<hbm>>
      %dma_wait3A_115 = tpu.memref_slice %arg4[%multiple_of3A_56] : memref<8388608xf32, #tpu.memory_space<hbm>> -> memref<8192xf32, #tpu.memory_space<hbm>>
      %dma_wait3A_116 = arith.constant 0 : i32
      %dma_wait3A_117 = tpu.memref_slice %arg13[%dma_wait3A_116] : memref<16384xf32, #tpu.memory_space<vmem>> -> memref<8192xf32, #tpu.memory_space<vmem>>
      tpu.wait_dma2 semaphore(%run_scoped3A : memref<!tpu.dma_semaphore, #tpu.memory_space<semaphore_mem>>) src(%dma_wait3A_117 : memref<8192xf32, #tpu.memory_space<vmem>>) dst(%dma_wait3A_115 : memref<8192xf32, #tpu.memory_space<hbm>>)
      tpu.yield
    }) : () -> ()
    %add3A_57 = arith.constant 3932160 : i32
    %add3A_58 = arith.addi %add3A_57, %multiple_of3A : i32
    %multiple_of3A_59 = tpu.assume_multiple %add3A_58, 8192 : i32
    "tpu.region"() ({
      %run_scoped3A = tpu.sem_alloc : memref<!tpu.dma_semaphore, #tpu.memory_space<semaphore_mem>>
      %dma_start3A = arith.constant 8192 : i32
      %dma_start3A_108 = tpu.memref_slice %arg13[%dma_start3A] : memref<16384xf32, #tpu.memory_space<vmem>> -> memref<8192xf32, #tpu.memory_space<vmem>>
      %dma_start3A_109 = tpu.memref_slice %arg4[%multiple_of3A_59] : memref<8388608xf32, #tpu.memory_space<hbm>> -> memref<8192xf32, #tpu.memory_space<hbm>>
      %dma_start3A_110 = tpu.memref_slice %arg4[%multiple_of3A_59] : memref<8388608xf32, #tpu.memory_space<hbm>> -> memref<8192xf32, #tpu.memory_space<hbm>>
      %dma_start3A_111 = arith.constant 8192 : i32
      %dma_start3A_112 = tpu.memref_slice %arg13[%dma_start3A_111] : memref<16384xf32, #tpu.memory_space<vmem>> -> memref<8192xf32, #tpu.memory_space<vmem>>
      tpu.enqueue_dma source(%dma_start3A_112 : memref<8192xf32, #tpu.memory_space<vmem>>) target(%dma_start3A_110 : memref<8192xf32, #tpu.memory_space<hbm>>) target_semaphore(%run_scoped3A : memref<!tpu.dma_semaphore, #tpu.memory_space<semaphore_mem>>)
      %dma_wait3A = arith.constant 8192 : i32
      %dma_wait3A_113 = tpu.memref_slice %arg13[%dma_wait3A] : memref<16384xf32, #tpu.memory_space<vmem>> -> memref<8192xf32, #tpu.memory_space<vmem>>
      %dma_wait3A_114 = tpu.memref_slice %arg4[%multiple_of3A_59] : memref<8388608xf32, #tpu.memory_space<hbm>> -> memref<8192xf32, #tpu.memory_space<hbm>>
      %dma_wait3A_115 = tpu.memref_slice %arg4[%multiple_of3A_59] : memref<8388608xf32, #tpu.memory_space<hbm>> -> memref<8192xf32, #tpu.memory_space<hbm>>
      %dma_wait3A_116 = arith.constant 8192 : i32
      %dma_wait3A_117 = tpu.memref_slice %arg13[%dma_wait3A_116] : memref<16384xf32, #tpu.memory_space<vmem>> -> memref<8192xf32, #tpu.memory_space<vmem>>
      tpu.wait_dma2 semaphore(%run_scoped3A : memref<!tpu.dma_semaphore, #tpu.memory_space<semaphore_mem>>) src(%dma_wait3A_117 : memref<8192xf32, #tpu.memory_space<vmem>>) dst(%dma_wait3A_115 : memref<8192xf32, #tpu.memory_space<hbm>>)
      tpu.yield
    }) : () -> ()
    %add3A_60 = arith.constant 4194304 : i32
    %add3A_61 = arith.addi %add3A_60, %multiple_of3A : i32
    %multiple_of3A_62 = tpu.assume_multiple %add3A_61, 8192 : i32
    "tpu.region"() ({
      %run_scoped3A = tpu.sem_alloc : memref<!tpu.dma_semaphore, #tpu.memory_space<semaphore_mem>>
      %dma_start3A = arith.constant 0 : i32
      %dma_start3A_108 = tpu.memref_slice %arg13[%dma_start3A] : memref<16384xf32, #tpu.memory_space<vmem>> -> memref<8192xf32, #tpu.memory_space<vmem>>
      %dma_start3A_109 = tpu.memref_slice %arg4[%multiple_of3A_62] : memref<8388608xf32, #tpu.memory_space<hbm>> -> memref<8192xf32, #tpu.memory_space<hbm>>
      %dma_start3A_110 = tpu.memref_slice %arg4[%multiple_of3A_62] : memref<8388608xf32, #tpu.memory_space<hbm>> -> memref<8192xf32, #tpu.memory_space<hbm>>
      %dma_start3A_111 = arith.constant 0 : i32
      %dma_start3A_112 = tpu.memref_slice %arg13[%dma_start3A_111] : memref<16384xf32, #tpu.memory_space<vmem>> -> memref<8192xf32, #tpu.memory_space<vmem>>
      tpu.enqueue_dma source(%dma_start3A_112 : memref<8192xf32, #tpu.memory_space<vmem>>) target(%dma_start3A_110 : memref<8192xf32, #tpu.memory_space<hbm>>) target_semaphore(%run_scoped3A : memref<!tpu.dma_semaphore, #tpu.memory_space<semaphore_mem>>)
      %dma_wait3A = arith.constant 0 : i32
      %dma_wait3A_113 = tpu.memref_slice %arg13[%dma_wait3A] : memref<16384xf32, #tpu.memory_space<vmem>> -> memref<8192xf32, #tpu.memory_space<vmem>>
      %dma_wait3A_114 = tpu.memref_slice %arg4[%multiple_of3A_62] : memref<8388608xf32, #tpu.memory_space<hbm>> -> memref<8192xf32, #tpu.memory_space<hbm>>
      %dma_wait3A_115 = tpu.memref_slice %arg4[%multiple_of3A_62] : memref<8388608xf32, #tpu.memory_space<hbm>> -> memref<8192xf32, #tpu.memory_space<hbm>>
      %dma_wait3A_116 = arith.constant 0 : i32
      %dma_wait3A_117 = tpu.memref_slice %arg13[%dma_wait3A_116] : memref<16384xf32, #tpu.memory_space<vmem>> -> memref<8192xf32, #tpu.memory_space<vmem>>
      tpu.wait_dma2 semaphore(%run_scoped3A : memref<!tpu.dma_semaphore, #tpu.memory_space<semaphore_mem>>) src(%dma_wait3A_117 : memref<8192xf32, #tpu.memory_space<vmem>>) dst(%dma_wait3A_115 : memref<8192xf32, #tpu.memory_space<hbm>>)
      tpu.yield
    }) : () -> ()
    %add3A_63 = arith.constant 4456448 : i32
    %add3A_64 = arith.addi %add3A_63, %multiple_of3A : i32
    %multiple_of3A_65 = tpu.assume_multiple %add3A_64, 8192 : i32
    "tpu.region"() ({
      %run_scoped3A = tpu.sem_alloc : memref<!tpu.dma_semaphore, #tpu.memory_space<semaphore_mem>>
      %dma_start3A = arith.constant 8192 : i32
      %dma_start3A_108 = tpu.memref_slice %arg13[%dma_start3A] : memref<16384xf32, #tpu.memory_space<vmem>> -> memref<8192xf32, #tpu.memory_space<vmem>>
      %dma_start3A_109 = tpu.memref_slice %arg4[%multiple_of3A_65] : memref<8388608xf32, #tpu.memory_space<hbm>> -> memref<8192xf32, #tpu.memory_space<hbm>>
      %dma_start3A_110 = tpu.memref_slice %arg4[%multiple_of3A_65] : memref<8388608xf32, #tpu.memory_space<hbm>> -> memref<8192xf32, #tpu.memory_space<hbm>>
      %dma_start3A_111 = arith.constant 8192 : i32
      %dma_start3A_112 = tpu.memref_slice %arg13[%dma_start3A_111] : memref<16384xf32, #tpu.memory_space<vmem>> -> memref<8192xf32, #tpu.memory_space<vmem>>
      tpu.enqueue_dma source(%dma_start3A_112 : memref<8192xf32, #tpu.memory_space<vmem>>) target(%dma_start3A_110 : memref<8192xf32, #tpu.memory_space<hbm>>) target_semaphore(%run_scoped3A : memref<!tpu.dma_semaphore, #tpu.memory_space<semaphore_mem>>)
      %dma_wait3A = arith.constant 8192 : i32
      %dma_wait3A_113 = tpu.memref_slice %arg13[%dma_wait3A] : memref<16384xf32, #tpu.memory_space<vmem>> -> memref<8192xf32, #tpu.memory_space<vmem>>
      %dma_wait3A_114 = tpu.memref_slice %arg4[%multiple_of3A_65] : memref<8388608xf32, #tpu.memory_space<hbm>> -> memref<8192xf32, #tpu.memory_space<hbm>>
      %dma_wait3A_115 = tpu.memref_slice %arg4[%multiple_of3A_65] : memref<8388608xf32, #tpu.memory_space<hbm>> -> memref<8192xf32, #tpu.memory_space<hbm>>
      %dma_wait3A_116 = arith.constant 8192 : i32
      %dma_wait3A_117 = tpu.memref_slice %arg13[%dma_wait3A_116] : memref<16384xf32, #tpu.memory_space<vmem>> -> memref<8192xf32, #tpu.memory_space<vmem>>
      tpu.wait_dma2 semaphore(%run_scoped3A : memref<!tpu.dma_semaphore, #tpu.memory_space<semaphore_mem>>) src(%dma_wait3A_117 : memref<8192xf32, #tpu.memory_space<vmem>>) dst(%dma_wait3A_115 : memref<8192xf32, #tpu.memory_space<hbm>>)
      tpu.yield
    }) : () -> ()
    %add3A_66 = arith.constant 4718592 : i32
    %add3A_67 = arith.addi %add3A_66, %multiple_of3A : i32
    %multiple_of3A_68 = tpu.assume_multiple %add3A_67, 8192 : i32
    "tpu.region"() ({
      %run_scoped3A = tpu.sem_alloc : memref<!tpu.dma_semaphore, #tpu.memory_space<semaphore_mem>>
      %dma_start3A = arith.constant 0 : i32
      %dma_start3A_108 = tpu.memref_slice %arg13[%dma_start3A] : memref<16384xf32, #tpu.memory_space<vmem>> -> memref<8192xf32, #tpu.memory_space<vmem>>
      %dma_start3A_109 = tpu.memref_slice %arg4[%multiple_of3A_68] : memref<8388608xf32, #tpu.memory_space<hbm>> -> memref<8192xf32, #tpu.memory_space<hbm>>
      %dma_start3A_110 = tpu.memref_slice %arg4[%multiple_of3A_68] : memref<8388608xf32, #tpu.memory_space<hbm>> -> memref<8192xf32, #tpu.memory_space<hbm>>
      %dma_start3A_111 = arith.constant 0 : i32
      %dma_start3A_112 = tpu.memref_slice %arg13[%dma_start3A_111] : memref<16384xf32, #tpu.memory_space<vmem>> -> memref<8192xf32, #tpu.memory_space<vmem>>
      tpu.enqueue_dma source(%dma_start3A_112 : memref<8192xf32, #tpu.memory_space<vmem>>) target(%dma_start3A_110 : memref<8192xf32, #tpu.memory_space<hbm>>) target_semaphore(%run_scoped3A : memref<!tpu.dma_semaphore, #tpu.memory_space<semaphore_mem>>)
      %dma_wait3A = arith.constant 0 : i32
      %dma_wait3A_113 = tpu.memref_slice %arg13[%dma_wait3A] : memref<16384xf32, #tpu.memory_space<vmem>> -> memref<8192xf32, #tpu.memory_space<vmem>>
      %dma_wait3A_114 = tpu.memref_slice %arg4[%multiple_of3A_68] : memref<8388608xf32, #tpu.memory_space<hbm>> -> memref<8192xf32, #tpu.memory_space<hbm>>
      %dma_wait3A_115 = tpu.memref_slice %arg4[%multiple_of3A_68] : memref<8388608xf32, #tpu.memory_space<hbm>> -> memref<8192xf32, #tpu.memory_space<hbm>>
      %dma_wait3A_116 = arith.constant 0 : i32
      %dma_wait3A_117 = tpu.memref_slice %arg13[%dma_wait3A_116] : memref<16384xf32, #tpu.memory_space<vmem>> -> memref<8192xf32, #tpu.memory_space<vmem>>
      tpu.wait_dma2 semaphore(%run_scoped3A : memref<!tpu.dma_semaphore, #tpu.memory_space<semaphore_mem>>) src(%dma_wait3A_117 : memref<8192xf32, #tpu.memory_space<vmem>>) dst(%dma_wait3A_115 : memref<8192xf32, #tpu.memory_space<hbm>>)
      tpu.yield
    }) : () -> ()
    %add3A_69 = arith.constant 4980736 : i32
    %add3A_70 = arith.addi %add3A_69, %multiple_of3A : i32
    %multiple_of3A_71 = tpu.assume_multiple %add3A_70, 8192 : i32
    "tpu.region"() ({
      %run_scoped3A = tpu.sem_alloc : memref<!tpu.dma_semaphore, #tpu.memory_space<semaphore_mem>>
      %dma_start3A = arith.constant 8192 : i32
      %dma_start3A_108 = tpu.memref_slice %arg13[%dma_start3A] : memref<16384xf32, #tpu.memory_space<vmem>> -> memref<8192xf32, #tpu.memory_space<vmem>>
      %dma_start3A_109 = tpu.memref_slice %arg4[%multiple_of3A_71] : memref<8388608xf32, #tpu.memory_space<hbm>> -> memref<8192xf32, #tpu.memory_space<hbm>>
      %dma_start3A_110 = tpu.memref_slice %arg4[%multiple_of3A_71] : memref<8388608xf32, #tpu.memory_space<hbm>> -> memref<8192xf32, #tpu.memory_space<hbm>>
      %dma_start3A_111 = arith.constant 8192 : i32
      %dma_start3A_112 = tpu.memref_slice %arg13[%dma_start3A_111] : memref<16384xf32, #tpu.memory_space<vmem>> -> memref<8192xf32, #tpu.memory_space<vmem>>
      tpu.enqueue_dma source(%dma_start3A_112 : memref<8192xf32, #tpu.memory_space<vmem>>) target(%dma_start3A_110 : memref<8192xf32, #tpu.memory_space<hbm>>) target_semaphore(%run_scoped3A : memref<!tpu.dma_semaphore, #tpu.memory_space<semaphore_mem>>)
      %dma_wait3A = arith.constant 8192 : i32
      %dma_wait3A_113 = tpu.memref_slice %arg13[%dma_wait3A] : memref<16384xf32, #tpu.memory_space<vmem>> -> memref<8192xf32, #tpu.memory_space<vmem>>
      %dma_wait3A_114 = tpu.memref_slice %arg4[%multiple_of3A_71] : memref<8388608xf32, #tpu.memory_space<hbm>> -> memref<8192xf32, #tpu.memory_space<hbm>>
      %dma_wait3A_115 = tpu.memref_slice %arg4[%multiple_of3A_71] : memref<8388608xf32, #tpu.memory_space<hbm>> -> memref<8192xf32, #tpu.memory_space<hbm>>
      %dma_wait3A_116 = arith.constant 8192 : i32
      %dma_wait3A_117 = tpu.memref_slice %arg13[%dma_wait3A_116] : memref<16384xf32, #tpu.memory_space<vmem>> -> memref<8192xf32, #tpu.memory_space<vmem>>
      tpu.wait_dma2 semaphore(%run_scoped3A : memref<!tpu.dma_semaphore, #tpu.memory_space<semaphore_mem>>) src(%dma_wait3A_117 : memref<8192xf32, #tpu.memory_space<vmem>>) dst(%dma_wait3A_115 : memref<8192xf32, #tpu.memory_space<hbm>>)
      tpu.yield
    }) : () -> ()
    %add3A_72 = arith.constant 5242880 : i32
    %add3A_73 = arith.addi %add3A_72, %multiple_of3A : i32
    %multiple_of3A_74 = tpu.assume_multiple %add3A_73, 8192 : i32
    "tpu.region"() ({
      %run_scoped3A = tpu.sem_alloc : memref<!tpu.dma_semaphore, #tpu.memory_space<semaphore_mem>>
      %dma_start3A = arith.constant 0 : i32
      %dma_start3A_108 = tpu.memref_slice %arg13[%dma_start3A] : memref<16384xf32, #tpu.memory_space<vmem>> -> memref<8192xf32, #tpu.memory_space<vmem>>
      %dma_start3A_109 = tpu.memref_slice %arg4[%multiple_of3A_74] : memref<8388608xf32, #tpu.memory_space<hbm>> -> memref<8192xf32, #tpu.memory_space<hbm>>
      %dma_start3A_110 = tpu.memref_slice %arg4[%multiple_of3A_74] : memref<8388608xf32, #tpu.memory_space<hbm>> -> memref<8192xf32, #tpu.memory_space<hbm>>
      %dma_start3A_111 = arith.constant 0 : i32
      %dma_start3A_112 = tpu.memref_slice %arg13[%dma_start3A_111] : memref<16384xf32, #tpu.memory_space<vmem>> -> memref<8192xf32, #tpu.memory_space<vmem>>
      tpu.enqueue_dma source(%dma_start3A_112 : memref<8192xf32, #tpu.memory_space<vmem>>) target(%dma_start3A_110 : memref<8192xf32, #tpu.memory_space<hbm>>) target_semaphore(%run_scoped3A : memref<!tpu.dma_semaphore, #tpu.memory_space<semaphore_mem>>)
      %dma_wait3A = arith.constant 0 : i32
      %dma_wait3A_113 = tpu.memref_slice %arg13[%dma_wait3A] : memref<16384xf32, #tpu.memory_space<vmem>> -> memref<8192xf32, #tpu.memory_space<vmem>>
      %dma_wait3A_114 = tpu.memref_slice %arg4[%multiple_of3A_74] : memref<8388608xf32, #tpu.memory_space<hbm>> -> memref<8192xf32, #tpu.memory_space<hbm>>
      %dma_wait3A_115 = tpu.memref_slice %arg4[%multiple_of3A_74] : memref<8388608xf32, #tpu.memory_space<hbm>> -> memref<8192xf32, #tpu.memory_space<hbm>>
      %dma_wait3A_116 = arith.constant 0 : i32
      %dma_wait3A_117 = tpu.memref_slice %arg13[%dma_wait3A_116] : memref<16384xf32, #tpu.memory_space<vmem>> -> memref<8192xf32, #tpu.memory_space<vmem>>
      tpu.wait_dma2 semaphore(%run_scoped3A : memref<!tpu.dma_semaphore, #tpu.memory_space<semaphore_mem>>) src(%dma_wait3A_117 : memref<8192xf32, #tpu.memory_space<vmem>>) dst(%dma_wait3A_115 : memref<8192xf32, #tpu.memory_space<hbm>>)
      tpu.yield
    }) : () -> ()
    %add3A_75 = arith.constant 5505024 : i32
    %add3A_76 = arith.addi %add3A_75, %multiple_of3A : i32
    %multiple_of3A_77 = tpu.assume_multiple %add3A_76, 8192 : i32
    "tpu.region"() ({
      %run_scoped3A = tpu.sem_alloc : memref<!tpu.dma_semaphore, #tpu.memory_space<semaphore_mem>>
      %dma_start3A = arith.constant 8192 : i32
      %dma_start3A_108 = tpu.memref_slice %arg13[%dma_start3A] : memref<16384xf32, #tpu.memory_space<vmem>> -> memref<8192xf32, #tpu.memory_space<vmem>>
      %dma_start3A_109 = tpu.memref_slice %arg4[%multiple_of3A_77] : memref<8388608xf32, #tpu.memory_space<hbm>> -> memref<8192xf32, #tpu.memory_space<hbm>>
      %dma_start3A_110 = tpu.memref_slice %arg4[%multiple_of3A_77] : memref<8388608xf32, #tpu.memory_space<hbm>> -> memref<8192xf32, #tpu.memory_space<hbm>>
      %dma_start3A_111 = arith.constant 8192 : i32
      %dma_start3A_112 = tpu.memref_slice %arg13[%dma_start3A_111] : memref<16384xf32, #tpu.memory_space<vmem>> -> memref<8192xf32, #tpu.memory_space<vmem>>
      tpu.enqueue_dma source(%dma_start3A_112 : memref<8192xf32, #tpu.memory_space<vmem>>) target(%dma_start3A_110 : memref<8192xf32, #tpu.memory_space<hbm>>) target_semaphore(%run_scoped3A : memref<!tpu.dma_semaphore, #tpu.memory_space<semaphore_mem>>)
      %dma_wait3A = arith.constant 8192 : i32
      %dma_wait3A_113 = tpu.memref_slice %arg13[%dma_wait3A] : memref<16384xf32, #tpu.memory_space<vmem>> -> memref<8192xf32, #tpu.memory_space<vmem>>
      %dma_wait3A_114 = tpu.memref_slice %arg4[%multiple_of3A_77] : memref<8388608xf32, #tpu.memory_space<hbm>> -> memref<8192xf32, #tpu.memory_space<hbm>>
      %dma_wait3A_115 = tpu.memref_slice %arg4[%multiple_of3A_77] : memref<8388608xf32, #tpu.memory_space<hbm>> -> memref<8192xf32, #tpu.memory_space<hbm>>
      %dma_wait3A_116 = arith.constant 8192 : i32
      %dma_wait3A_117 = tpu.memref_slice %arg13[%dma_wait3A_116] : memref<16384xf32, #tpu.memory_space<vmem>> -> memref<8192xf32, #tpu.memory_space<vmem>>
      tpu.wait_dma2 semaphore(%run_scoped3A : memref<!tpu.dma_semaphore, #tpu.memory_space<semaphore_mem>>) src(%dma_wait3A_117 : memref<8192xf32, #tpu.memory_space<vmem>>) dst(%dma_wait3A_115 : memref<8192xf32, #tpu.memory_space<hbm>>)
      tpu.yield
    }) : () -> ()
    %add3A_78 = arith.constant 5767168 : i32
    %add3A_79 = arith.addi %add3A_78, %multiple_of3A : i32
    %multiple_of3A_80 = tpu.assume_multiple %add3A_79, 8192 : i32
    "tpu.region"() ({
      %run_scoped3A = tpu.sem_alloc : memref<!tpu.dma_semaphore, #tpu.memory_space<semaphore_mem>>
      %dma_start3A = arith.constant 0 : i32
      %dma_start3A_108 = tpu.memref_slice %arg13[%dma_start3A] : memref<16384xf32, #tpu.memory_space<vmem>> -> memref<8192xf32, #tpu.memory_space<vmem>>
      %dma_start3A_109 = tpu.memref_slice %arg4[%multiple_of3A_80] : memref<8388608xf32, #tpu.memory_space<hbm>> -> memref<8192xf32, #tpu.memory_space<hbm>>
      %dma_start3A_110 = tpu.memref_slice %arg4[%multiple_of3A_80] : memref<8388608xf32, #tpu.memory_space<hbm>> -> memref<8192xf32, #tpu.memory_space<hbm>>
      %dma_start3A_111 = arith.constant 0 : i32
      %dma_start3A_112 = tpu.memref_slice %arg13[%dma_start3A_111] : memref<16384xf32, #tpu.memory_space<vmem>> -> memref<8192xf32, #tpu.memory_space<vmem>>
      tpu.enqueue_dma source(%dma_start3A_112 : memref<8192xf32, #tpu.memory_space<vmem>>) target(%dma_start3A_110 : memref<8192xf32, #tpu.memory_space<hbm>>) target_semaphore(%run_scoped3A : memref<!tpu.dma_semaphore, #tpu.memory_space<semaphore_mem>>)
      %dma_wait3A = arith.constant 0 : i32
      %dma_wait3A_113 = tpu.memref_slice %arg13[%dma_wait3A] : memref<16384xf32, #tpu.memory_space<vmem>> -> memref<8192xf32, #tpu.memory_space<vmem>>
      %dma_wait3A_114 = tpu.memref_slice %arg4[%multiple_of3A_80] : memref<8388608xf32, #tpu.memory_space<hbm>> -> memref<8192xf32, #tpu.memory_space<hbm>>
      %dma_wait3A_115 = tpu.memref_slice %arg4[%multiple_of3A_80] : memref<8388608xf32, #tpu.memory_space<hbm>> -> memref<8192xf32, #tpu.memory_space<hbm>>
      %dma_wait3A_116 = arith.constant 0 : i32
      %dma_wait3A_117 = tpu.memref_slice %arg13[%dma_wait3A_116] : memref<16384xf32, #tpu.memory_space<vmem>> -> memref<8192xf32, #tpu.memory_space<vmem>>
      tpu.wait_dma2 semaphore(%run_scoped3A : memref<!tpu.dma_semaphore, #tpu.memory_space<semaphore_mem>>) src(%dma_wait3A_117 : memref<8192xf32, #tpu.memory_space<vmem>>) dst(%dma_wait3A_115 : memref<8192xf32, #tpu.memory_space<hbm>>)
      tpu.yield
    }) : () -> ()
    %add3A_81 = arith.constant 6029312 : i32
    %add3A_82 = arith.addi %add3A_81, %multiple_of3A : i32
    %multiple_of3A_83 = tpu.assume_multiple %add3A_82, 8192 : i32
    "tpu.region"() ({
      %run_scoped3A = tpu.sem_alloc : memref<!tpu.dma_semaphore, #tpu.memory_space<semaphore_mem>>
      %dma_start3A = arith.constant 8192 : i32
      %dma_start3A_108 = tpu.memref_slice %arg13[%dma_start3A] : memref<16384xf32, #tpu.memory_space<vmem>> -> memref<8192xf32, #tpu.memory_space<vmem>>
      %dma_start3A_109 = tpu.memref_slice %arg4[%multiple_of3A_83] : memref<8388608xf32, #tpu.memory_space<hbm>> -> memref<8192xf32, #tpu.memory_space<hbm>>
      %dma_start3A_110 = tpu.memref_slice %arg4[%multiple_of3A_83] : memref<8388608xf32, #tpu.memory_space<hbm>> -> memref<8192xf32, #tpu.memory_space<hbm>>
      %dma_start3A_111 = arith.constant 8192 : i32
      %dma_start3A_112 = tpu.memref_slice %arg13[%dma_start3A_111] : memref<16384xf32, #tpu.memory_space<vmem>> -> memref<8192xf32, #tpu.memory_space<vmem>>
      tpu.enqueue_dma source(%dma_start3A_112 : memref<8192xf32, #tpu.memory_space<vmem>>) target(%dma_start3A_110 : memref<8192xf32, #tpu.memory_space<hbm>>) target_semaphore(%run_scoped3A : memref<!tpu.dma_semaphore, #tpu.memory_space<semaphore_mem>>)
      %dma_wait3A = arith.constant 8192 : i32
      %dma_wait3A_113 = tpu.memref_slice %arg13[%dma_wait3A] : memref<16384xf32, #tpu.memory_space<vmem>> -> memref<8192xf32, #tpu.memory_space<vmem>>
      %dma_wait3A_114 = tpu.memref_slice %arg4[%multiple_of3A_83] : memref<8388608xf32, #tpu.memory_space<hbm>> -> memref<8192xf32, #tpu.memory_space<hbm>>
      %dma_wait3A_115 = tpu.memref_slice %arg4[%multiple_of3A_83] : memref<8388608xf32, #tpu.memory_space<hbm>> -> memref<8192xf32, #tpu.memory_space<hbm>>
      %dma_wait3A_116 = arith.constant 8192 : i32
      %dma_wait3A_117 = tpu.memref_slice %arg13[%dma_wait3A_116] : memref<16384xf32, #tpu.memory_space<vmem>> -> memref<8192xf32, #tpu.memory_space<vmem>>
      tpu.wait_dma2 semaphore(%run_scoped3A : memref<!tpu.dma_semaphore, #tpu.memory_space<semaphore_mem>>) src(%dma_wait3A_117 : memref<8192xf32, #tpu.memory_space<vmem>>) dst(%dma_wait3A_115 : memref<8192xf32, #tpu.memory_space<hbm>>)
      tpu.yield
    }) : () -> ()
    %add3A_84 = arith.constant 6291456 : i32
    %add3A_85 = arith.addi %add3A_84, %multiple_of3A : i32
    %multiple_of3A_86 = tpu.assume_multiple %add3A_85, 8192 : i32
    "tpu.region"() ({
      %run_scoped3A = tpu.sem_alloc : memref<!tpu.dma_semaphore, #tpu.memory_space<semaphore_mem>>
      %dma_start3A = arith.constant 0 : i32
      %dma_start3A_108 = tpu.memref_slice %arg13[%dma_start3A] : memref<16384xf32, #tpu.memory_space<vmem>> -> memref<8192xf32, #tpu.memory_space<vmem>>
      %dma_start3A_109 = tpu.memref_slice %arg4[%multiple_of3A_86] : memref<8388608xf32, #tpu.memory_space<hbm>> -> memref<8192xf32, #tpu.memory_space<hbm>>
      %dma_start3A_110 = tpu.memref_slice %arg4[%multiple_of3A_86] : memref<8388608xf32, #tpu.memory_space<hbm>> -> memref<8192xf32, #tpu.memory_space<hbm>>
      %dma_start3A_111 = arith.constant 0 : i32
      %dma_start3A_112 = tpu.memref_slice %arg13[%dma_start3A_111] : memref<16384xf32, #tpu.memory_space<vmem>> -> memref<8192xf32, #tpu.memory_space<vmem>>
      tpu.enqueue_dma source(%dma_start3A_112 : memref<8192xf32, #tpu.memory_space<vmem>>) target(%dma_start3A_110 : memref<8192xf32, #tpu.memory_space<hbm>>) target_semaphore(%run_scoped3A : memref<!tpu.dma_semaphore, #tpu.memory_space<semaphore_mem>>)
      %dma_wait3A = arith.constant 0 : i32
      %dma_wait3A_113 = tpu.memref_slice %arg13[%dma_wait3A] : memref<16384xf32, #tpu.memory_space<vmem>> -> memref<8192xf32, #tpu.memory_space<vmem>>
      %dma_wait3A_114 = tpu.memref_slice %arg4[%multiple_of3A_86] : memref<8388608xf32, #tpu.memory_space<hbm>> -> memref<8192xf32, #tpu.memory_space<hbm>>
      %dma_wait3A_115 = tpu.memref_slice %arg4[%multiple_of3A_86] : memref<8388608xf32, #tpu.memory_space<hbm>> -> memref<8192xf32, #tpu.memory_space<hbm>>
      %dma_wait3A_116 = arith.constant 0 : i32
      %dma_wait3A_117 = tpu.memref_slice %arg13[%dma_wait3A_116] : memref<16384xf32, #tpu.memory_space<vmem>> -> memref<8192xf32, #tpu.memory_space<vmem>>
      tpu.wait_dma2 semaphore(%run_scoped3A : memref<!tpu.dma_semaphore, #tpu.memory_space<semaphore_mem>>) src(%dma_wait3A_117 : memref<8192xf32, #tpu.memory_space<vmem>>) dst(%dma_wait3A_115 : memref<8192xf32, #tpu.memory_space<hbm>>)
      tpu.yield
    }) : () -> ()
    %add3A_87 = arith.constant 6553600 : i32
    %add3A_88 = arith.addi %add3A_87, %multiple_of3A : i32
    %multiple_of3A_89 = tpu.assume_multiple %add3A_88, 8192 : i32
    "tpu.region"() ({
      %run_scoped3A = tpu.sem_alloc : memref<!tpu.dma_semaphore, #tpu.memory_space<semaphore_mem>>
      %dma_start3A = arith.constant 8192 : i32
      %dma_start3A_108 = tpu.memref_slice %arg13[%dma_start3A] : memref<16384xf32, #tpu.memory_space<vmem>> -> memref<8192xf32, #tpu.memory_space<vmem>>
      %dma_start3A_109 = tpu.memref_slice %arg4[%multiple_of3A_89] : memref<8388608xf32, #tpu.memory_space<hbm>> -> memref<8192xf32, #tpu.memory_space<hbm>>
      %dma_start3A_110 = tpu.memref_slice %arg4[%multiple_of3A_89] : memref<8388608xf32, #tpu.memory_space<hbm>> -> memref<8192xf32, #tpu.memory_space<hbm>>
      %dma_start3A_111 = arith.constant 8192 : i32
      %dma_start3A_112 = tpu.memref_slice %arg13[%dma_start3A_111] : memref<16384xf32, #tpu.memory_space<vmem>> -> memref<8192xf32, #tpu.memory_space<vmem>>
      tpu.enqueue_dma source(%dma_start3A_112 : memref<8192xf32, #tpu.memory_space<vmem>>) target(%dma_start3A_110 : memref<8192xf32, #tpu.memory_space<hbm>>) target_semaphore(%run_scoped3A : memref<!tpu.dma_semaphore, #tpu.memory_space<semaphore_mem>>)
      %dma_wait3A = arith.constant 8192 : i32
      %dma_wait3A_113 = tpu.memref_slice %arg13[%dma_wait3A] : memref<16384xf32, #tpu.memory_space<vmem>> -> memref<8192xf32, #tpu.memory_space<vmem>>
      %dma_wait3A_114 = tpu.memref_slice %arg4[%multiple_of3A_89] : memref<8388608xf32, #tpu.memory_space<hbm>> -> memref<8192xf32, #tpu.memory_space<hbm>>
      %dma_wait3A_115 = tpu.memref_slice %arg4[%multiple_of3A_89] : memref<8388608xf32, #tpu.memory_space<hbm>> -> memref<8192xf32, #tpu.memory_space<hbm>>
      %dma_wait3A_116 = arith.constant 8192 : i32
      %dma_wait3A_117 = tpu.memref_slice %arg13[%dma_wait3A_116] : memref<16384xf32, #tpu.memory_space<vmem>> -> memref<8192xf32, #tpu.memory_space<vmem>>
      tpu.wait_dma2 semaphore(%run_scoped3A : memref<!tpu.dma_semaphore, #tpu.memory_space<semaphore_mem>>) src(%dma_wait3A_117 : memref<8192xf32, #tpu.memory_space<vmem>>) dst(%dma_wait3A_115 : memref<8192xf32, #tpu.memory_space<hbm>>)
      tpu.yield
    }) : () -> ()
    %add3A_90 = arith.constant 6815744 : i32
    %add3A_91 = arith.addi %add3A_90, %multiple_of3A : i32
    %multiple_of3A_92 = tpu.assume_multiple %add3A_91, 8192 : i32
    "tpu.region"() ({
      %run_scoped3A = tpu.sem_alloc : memref<!tpu.dma_semaphore, #tpu.memory_space<semaphore_mem>>
      %dma_start3A = arith.constant 0 : i32
      %dma_start3A_108 = tpu.memref_slice %arg13[%dma_start3A] : memref<16384xf32, #tpu.memory_space<vmem>> -> memref<8192xf32, #tpu.memory_space<vmem>>
      %dma_start3A_109 = tpu.memref_slice %arg4[%multiple_of3A_92] : memref<8388608xf32, #tpu.memory_space<hbm>> -> memref<8192xf32, #tpu.memory_space<hbm>>
      %dma_start3A_110 = tpu.memref_slice %arg4[%multiple_of3A_92] : memref<8388608xf32, #tpu.memory_space<hbm>> -> memref<8192xf32, #tpu.memory_space<hbm>>
      %dma_start3A_111 = arith.constant 0 : i32
      %dma_start3A_112 = tpu.memref_slice %arg13[%dma_start3A_111] : memref<16384xf32, #tpu.memory_space<vmem>> -> memref<8192xf32, #tpu.memory_space<vmem>>
      tpu.enqueue_dma source(%dma_start3A_112 : memref<8192xf32, #tpu.memory_space<vmem>>) target(%dma_start3A_110 : memref<8192xf32, #tpu.memory_space<hbm>>) target_semaphore(%run_scoped3A : memref<!tpu.dma_semaphore, #tpu.memory_space<semaphore_mem>>)
      %dma_wait3A = arith.constant 0 : i32
      %dma_wait3A_113 = tpu.memref_slice %arg13[%dma_wait3A] : memref<16384xf32, #tpu.memory_space<vmem>> -> memref<8192xf32, #tpu.memory_space<vmem>>
      %dma_wait3A_114 = tpu.memref_slice %arg4[%multiple_of3A_92] : memref<8388608xf32, #tpu.memory_space<hbm>> -> memref<8192xf32, #tpu.memory_space<hbm>>
      %dma_wait3A_115 = tpu.memref_slice %arg4[%multiple_of3A_92] : memref<8388608xf32, #tpu.memory_space<hbm>> -> memref<8192xf32, #tpu.memory_space<hbm>>
      %dma_wait3A_116 = arith.constant 0 : i32
      %dma_wait3A_117 = tpu.memref_slice %arg13[%dma_wait3A_116] : memref<16384xf32, #tpu.memory_space<vmem>> -> memref<8192xf32, #tpu.memory_space<vmem>>
      tpu.wait_dma2 semaphore(%run_scoped3A : memref<!tpu.dma_semaphore, #tpu.memory_space<semaphore_mem>>) src(%dma_wait3A_117 : memref<8192xf32, #tpu.memory_space<vmem>>) dst(%dma_wait3A_115 : memref<8192xf32, #tpu.memory_space<hbm>>)
      tpu.yield
    }) : () -> ()
    %add3A_93 = arith.constant 7077888 : i32
    %add3A_94 = arith.addi %add3A_93, %multiple_of3A : i32
    %multiple_of3A_95 = tpu.assume_multiple %add3A_94, 8192 : i32
    "tpu.region"() ({
      %run_scoped3A = tpu.sem_alloc : memref<!tpu.dma_semaphore, #tpu.memory_space<semaphore_mem>>
      %dma_start3A = arith.constant 8192 : i32
      %dma_start3A_108 = tpu.memref_slice %arg13[%dma_start3A] : memref<16384xf32, #tpu.memory_space<vmem>> -> memref<8192xf32, #tpu.memory_space<vmem>>
      %dma_start3A_109 = tpu.memref_slice %arg4[%multiple_of3A_95] : memref<8388608xf32, #tpu.memory_space<hbm>> -> memref<8192xf32, #tpu.memory_space<hbm>>
      %dma_start3A_110 = tpu.memref_slice %arg4[%multiple_of3A_95] : memref<8388608xf32, #tpu.memory_space<hbm>> -> memref<8192xf32, #tpu.memory_space<hbm>>
      %dma_start3A_111 = arith.constant 8192 : i32
      %dma_start3A_112 = tpu.memref_slice %arg13[%dma_start3A_111] : memref<16384xf32, #tpu.memory_space<vmem>> -> memref<8192xf32, #tpu.memory_space<vmem>>
      tpu.enqueue_dma source(%dma_start3A_112 : memref<8192xf32, #tpu.memory_space<vmem>>) target(%dma_start3A_110 : memref<8192xf32, #tpu.memory_space<hbm>>) target_semaphore(%run_scoped3A : memref<!tpu.dma_semaphore, #tpu.memory_space<semaphore_mem>>)
      %dma_wait3A = arith.constant 8192 : i32
      %dma_wait3A_113 = tpu.memref_slice %arg13[%dma_wait3A] : memref<16384xf32, #tpu.memory_space<vmem>> -> memref<8192xf32, #tpu.memory_space<vmem>>
      %dma_wait3A_114 = tpu.memref_slice %arg4[%multiple_of3A_95] : memref<8388608xf32, #tpu.memory_space<hbm>> -> memref<8192xf32, #tpu.memory_space<hbm>>
      %dma_wait3A_115 = tpu.memref_slice %arg4[%multiple_of3A_95] : memref<8388608xf32, #tpu.memory_space<hbm>> -> memref<8192xf32, #tpu.memory_space<hbm>>
      %dma_wait3A_116 = arith.constant 8192 : i32
      %dma_wait3A_117 = tpu.memref_slice %arg13[%dma_wait3A_116] : memref<16384xf32, #tpu.memory_space<vmem>> -> memref<8192xf32, #tpu.memory_space<vmem>>
      tpu.wait_dma2 semaphore(%run_scoped3A : memref<!tpu.dma_semaphore, #tpu.memory_space<semaphore_mem>>) src(%dma_wait3A_117 : memref<8192xf32, #tpu.memory_space<vmem>>) dst(%dma_wait3A_115 : memref<8192xf32, #tpu.memory_space<hbm>>)
      tpu.yield
    }) : () -> ()
    %add3A_96 = arith.constant 7340032 : i32
    %add3A_97 = arith.addi %add3A_96, %multiple_of3A : i32
    %multiple_of3A_98 = tpu.assume_multiple %add3A_97, 8192 : i32
    "tpu.region"() ({
      %run_scoped3A = tpu.sem_alloc : memref<!tpu.dma_semaphore, #tpu.memory_space<semaphore_mem>>
      %dma_start3A = arith.constant 0 : i32
      %dma_start3A_108 = tpu.memref_slice %arg13[%dma_start3A] : memref<16384xf32, #tpu.memory_space<vmem>> -> memref<8192xf32, #tpu.memory_space<vmem>>
      %dma_start3A_109 = tpu.memref_slice %arg4[%multiple_of3A_98] : memref<8388608xf32, #tpu.memory_space<hbm>> -> memref<8192xf32, #tpu.memory_space<hbm>>
      %dma_start3A_110 = tpu.memref_slice %arg4[%multiple_of3A_98] : memref<8388608xf32, #tpu.memory_space<hbm>> -> memref<8192xf32, #tpu.memory_space<hbm>>
      %dma_start3A_111 = arith.constant 0 : i32
      %dma_start3A_112 = tpu.memref_slice %arg13[%dma_start3A_111] : memref<16384xf32, #tpu.memory_space<vmem>> -> memref<8192xf32, #tpu.memory_space<vmem>>
      tpu.enqueue_dma source(%dma_start3A_112 : memref<8192xf32, #tpu.memory_space<vmem>>) target(%dma_start3A_110 : memref<8192xf32, #tpu.memory_space<hbm>>) target_semaphore(%run_scoped3A : memref<!tpu.dma_semaphore, #tpu.memory_space<semaphore_mem>>)
      %dma_wait3A = arith.constant 0 : i32
      %dma_wait3A_113 = tpu.memref_slice %arg13[%dma_wait3A] : memref<16384xf32, #tpu.memory_space<vmem>> -> memref<8192xf32, #tpu.memory_space<vmem>>
      %dma_wait3A_114 = tpu.memref_slice %arg4[%multiple_of3A_98] : memref<8388608xf32, #tpu.memory_space<hbm>> -> memref<8192xf32, #tpu.memory_space<hbm>>
      %dma_wait3A_115 = tpu.memref_slice %arg4[%multiple_of3A_98] : memref<8388608xf32, #tpu.memory_space<hbm>> -> memref<8192xf32, #tpu.memory_space<hbm>>
      %dma_wait3A_116 = arith.constant 0 : i32
      %dma_wait3A_117 = tpu.memref_slice %arg13[%dma_wait3A_116] : memref<16384xf32, #tpu.memory_space<vmem>> -> memref<8192xf32, #tpu.memory_space<vmem>>
      tpu.wait_dma2 semaphore(%run_scoped3A : memref<!tpu.dma_semaphore, #tpu.memory_space<semaphore_mem>>) src(%dma_wait3A_117 : memref<8192xf32, #tpu.memory_space<vmem>>) dst(%dma_wait3A_115 : memref<8192xf32, #tpu.memory_space<hbm>>)
      tpu.yield
    }) : () -> ()
    %add3A_99 = arith.constant 7602176 : i32
    %add3A_100 = arith.addi %add3A_99, %multiple_of3A : i32
    %multiple_of3A_101 = tpu.assume_multiple %add3A_100, 8192 : i32
    "tpu.region"() ({
      %run_scoped3A = tpu.sem_alloc : memref<!tpu.dma_semaphore, #tpu.memory_space<semaphore_mem>>
      %dma_start3A = arith.constant 8192 : i32
      %dma_start3A_108 = tpu.memref_slice %arg13[%dma_start3A] : memref<16384xf32, #tpu.memory_space<vmem>> -> memref<8192xf32, #tpu.memory_space<vmem>>
      %dma_start3A_109 = tpu.memref_slice %arg4[%multiple_of3A_101] : memref<8388608xf32, #tpu.memory_space<hbm>> -> memref<8192xf32, #tpu.memory_space<hbm>>
      %dma_start3A_110 = tpu.memref_slice %arg4[%multiple_of3A_101] : memref<8388608xf32, #tpu.memory_space<hbm>> -> memref<8192xf32, #tpu.memory_space<hbm>>
      %dma_start3A_111 = arith.constant 8192 : i32
      %dma_start3A_112 = tpu.memref_slice %arg13[%dma_start3A_111] : memref<16384xf32, #tpu.memory_space<vmem>> -> memref<8192xf32, #tpu.memory_space<vmem>>
      tpu.enqueue_dma source(%dma_start3A_112 : memref<8192xf32, #tpu.memory_space<vmem>>) target(%dma_start3A_110 : memref<8192xf32, #tpu.memory_space<hbm>>) target_semaphore(%run_scoped3A : memref<!tpu.dma_semaphore, #tpu.memory_space<semaphore_mem>>)
      %dma_wait3A = arith.constant 8192 : i32
      %dma_wait3A_113 = tpu.memref_slice %arg13[%dma_wait3A] : memref<16384xf32, #tpu.memory_space<vmem>> -> memref<8192xf32, #tpu.memory_space<vmem>>
      %dma_wait3A_114 = tpu.memref_slice %arg4[%multiple_of3A_101] : memref<8388608xf32, #tpu.memory_space<hbm>> -> memref<8192xf32, #tpu.memory_space<hbm>>
      %dma_wait3A_115 = tpu.memref_slice %arg4[%multiple_of3A_101] : memref<8388608xf32, #tpu.memory_space<hbm>> -> memref<8192xf32, #tpu.memory_space<hbm>>
      %dma_wait3A_116 = arith.constant 8192 : i32
      %dma_wait3A_117 = tpu.memref_slice %arg13[%dma_wait3A_116] : memref<16384xf32, #tpu.memory_space<vmem>> -> memref<8192xf32, #tpu.memory_space<vmem>>
      tpu.wait_dma2 semaphore(%run_scoped3A : memref<!tpu.dma_semaphore, #tpu.memory_space<semaphore_mem>>) src(%dma_wait3A_117 : memref<8192xf32, #tpu.memory_space<vmem>>) dst(%dma_wait3A_115 : memref<8192xf32, #tpu.memory_space<hbm>>)
      tpu.yield
    }) : () -> ()
    %add3A_102 = arith.constant 7864320 : i32
    %add3A_103 = arith.addi %add3A_102, %multiple_of3A : i32
    %multiple_of3A_104 = tpu.assume_multiple %add3A_103, 8192 : i32
    "tpu.region"() ({
      %run_scoped3A = tpu.sem_alloc : memref<!tpu.dma_semaphore, #tpu.memory_space<semaphore_mem>>
      %dma_start3A = arith.constant 0 : i32
      %dma_start3A_108 = tpu.memref_slice %arg13[%dma_start3A] : memref<16384xf32, #tpu.memory_space<vmem>> -> memref<8192xf32, #tpu.memory_space<vmem>>
      %dma_start3A_109 = tpu.memref_slice %arg4[%multiple_of3A_104] : memref<8388608xf32, #tpu.memory_space<hbm>> -> memref<8192xf32, #tpu.memory_space<hbm>>
      %dma_start3A_110 = tpu.memref_slice %arg4[%multiple_of3A_104] : memref<8388608xf32, #tpu.memory_space<hbm>> -> memref<8192xf32, #tpu.memory_space<hbm>>
      %dma_start3A_111 = arith.constant 0 : i32
      %dma_start3A_112 = tpu.memref_slice %arg13[%dma_start3A_111] : memref<16384xf32, #tpu.memory_space<vmem>> -> memref<8192xf32, #tpu.memory_space<vmem>>
      tpu.enqueue_dma source(%dma_start3A_112 : memref<8192xf32, #tpu.memory_space<vmem>>) target(%dma_start3A_110 : memref<8192xf32, #tpu.memory_space<hbm>>) target_semaphore(%run_scoped3A : memref<!tpu.dma_semaphore, #tpu.memory_space<semaphore_mem>>)
      %dma_wait3A = arith.constant 0 : i32
      %dma_wait3A_113 = tpu.memref_slice %arg13[%dma_wait3A] : memref<16384xf32, #tpu.memory_space<vmem>> -> memref<8192xf32, #tpu.memory_space<vmem>>
      %dma_wait3A_114 = tpu.memref_slice %arg4[%multiple_of3A_104] : memref<8388608xf32, #tpu.memory_space<hbm>> -> memref<8192xf32, #tpu.memory_space<hbm>>
      %dma_wait3A_115 = tpu.memref_slice %arg4[%multiple_of3A_104] : memref<8388608xf32, #tpu.memory_space<hbm>> -> memref<8192xf32, #tpu.memory_space<hbm>>
      %dma_wait3A_116 = arith.constant 0 : i32
      %dma_wait3A_117 = tpu.memref_slice %arg13[%dma_wait3A_116] : memref<16384xf32, #tpu.memory_space<vmem>> -> memref<8192xf32, #tpu.memory_space<vmem>>
      tpu.wait_dma2 semaphore(%run_scoped3A : memref<!tpu.dma_semaphore, #tpu.memory_space<semaphore_mem>>) src(%dma_wait3A_117 : memref<8192xf32, #tpu.memory_space<vmem>>) dst(%dma_wait3A_115 : memref<8192xf32, #tpu.memory_space<hbm>>)
      tpu.yield
    }) : () -> ()
    %add3A_105 = arith.constant 8126464 : i32
    %add3A_106 = arith.addi %add3A_105, %multiple_of3A : i32
    %multiple_of3A_107 = tpu.assume_multiple %add3A_106, 8192 : i32
    "tpu.region"() ({
      %run_scoped3A = tpu.sem_alloc : memref<!tpu.dma_semaphore, #tpu.memory_space<semaphore_mem>>
      %dma_start3A = arith.constant 8192 : i32
      %dma_start3A_108 = tpu.memref_slice %arg13[%dma_start3A] : memref<16384xf32, #tpu.memory_space<vmem>> -> memref<8192xf32, #tpu.memory_space<vmem>>
      %dma_start3A_109 = tpu.memref_slice %arg4[%multiple_of3A_107] : memref<8388608xf32, #tpu.memory_space<hbm>> -> memref<8192xf32, #tpu.memory_space<hbm>>
      %dma_start3A_110 = tpu.memref_slice %arg4[%multiple_of3A_107] : memref<8388608xf32, #tpu.memory_space<hbm>> -> memref<8192xf32, #tpu.memory_space<hbm>>
      %dma_start3A_111 = arith.constant 8192 : i32
      %dma_start3A_112 = tpu.memref_slice %arg13[%dma_start3A_111] : memref<16384xf32, #tpu.memory_space<vmem>> -> memref<8192xf32, #tpu.memory_space<vmem>>
      tpu.enqueue_dma source(%dma_start3A_112 : memref<8192xf32, #tpu.memory_space<vmem>>) target(%dma_start3A_110 : memref<8192xf32, #tpu.memory_space<hbm>>) target_semaphore(%run_scoped3A : memref<!tpu.dma_semaphore, #tpu.memory_space<semaphore_mem>>)
      %dma_wait3A = arith.constant 8192 : i32
      %dma_wait3A_113 = tpu.memref_slice %arg13[%dma_wait3A] : memref<16384xf32, #tpu.memory_space<vmem>> -> memref<8192xf32, #tpu.memory_space<vmem>>
      %dma_wait3A_114 = tpu.memref_slice %arg4[%multiple_of3A_107] : memref<8388608xf32, #tpu.memory_space<hbm>> -> memref<8192xf32, #tpu.memory_space<hbm>>
      %dma_wait3A_115 = tpu.memref_slice %arg4[%multiple_of3A_107] : memref<8388608xf32, #tpu.memory_space<hbm>> -> memref<8192xf32, #tpu.memory_space<hbm>>
      %dma_wait3A_116 = arith.constant 8192 : i32
      %dma_wait3A_117 = tpu.memref_slice %arg13[%dma_wait3A_116] : memref<16384xf32, #tpu.memory_space<vmem>> -> memref<8192xf32, #tpu.memory_space<vmem>>
      tpu.wait_dma2 semaphore(%run_scoped3A : memref<!tpu.dma_semaphore, #tpu.memory_space<semaphore_mem>>) src(%dma_wait3A_117 : memref<8192xf32, #tpu.memory_space<vmem>>) dst(%dma_wait3A_115 : memref<8192xf32, #tpu.memory_space<hbm>>)
      tpu.yield
    }) : () -> ()
    return
  }
}

</mosaic_0001>

<sc_bundles>
// kernel: _hash_encode.3.cloned.1.call-start
scs
__scs_entry_jumppad:
0x0: {  	(pc) =	sbr.rel $0x88, $3  }
0x1: {  	(tag) =	ssettag $0x0;
	lr =	simm.s32 $0x1  }
0x2: {  	[smem:$0x3F9F] =	sst lr;
	_ =	strace $0xD0000000  }
0x3: {  	_ = 	snop  }
0x4: {  	_ = 	snop  }
0x5: {  	_ = 	snop  }
0x6: {  	_ = 	snop  }
0x7: {  	_ = 	snop  }
__scs_overlays_trampoline_lowered:
0x8: {  	[smem:$0x3FAE] =	sst s0  }
0x9: {  	[smem:$0x3FAF] =	sst s1  }
0xa: {  	[smem:$0x3FB0] =	sst s2  }
0xb: {  	[smem:$0x3FB1] =	sst s3  }
0xc: {  	[smem:$0x3FB2] =	sst s4  }
0xd: {  	[smem:$0x3FB3] =	sst s5  }
0xe: {  	[smem:$0x3FB4] =	sst s6  }
0xf: {  	[smem:$0x3FB5] =	sst s7  }
0x10: {  	[smem:$0x3FB6] =	sst s8  }
0x11: {  	[smem:$0x3FB7] =	sst s9;
	s0 =	simm.s32 @!p0 $0x0  }
0x12: {  	s1 =	sld [smem:$0x3F9D];
	s0 =	simm.s32 @p0 $0x1  }
0x13: {  	[smem:$0x3FB8] =	sst s0;
	s0 =	simm.s32 @!p1 $0x0  }
0x14: {  	s2 =	sld [smem:$0x3F9C];
	s0 =	simm.s32 @p1 $0x1  }
0x15: {  	[smem:$0x3FB9] =	sst s0;
	s0 =	simm.s32 @!p2 $0x0  }
0x16: {  	s3 =	sld [smem:$0x3FDB];
	s0 =	simm.s32 @p2 $0x1  }
0x17: {  	s4 =	simm.s32 $0x1BF5;
	[smem:$0x3FBB] =	sst s0  }
0x18: {  	s0 =	sld [smem:$0x3F9E];
	_ =	swait.ge [sflag:s4], $0x0  }
0x19: {  	s7 =	sld [smem:$0x3F9F]  }
0x1a: {  	s8 =	sadd.s32 $0xFFFFE003, lr  }
0x1b: {  	s9 =	sadd.s32 $0xFFFFFEF7, lr;
	s5 =	simm.s32 $0xFFFFFFFF;
	p2 =	slt.u32 s8, $0xFFFFF086  }
0x1c: {  	p1 =	slt.u32 s9, $0xF7A;
	s5 =	simm.s32 @!p2 $0x0  }
0x1d: {  	s5 =	simm.s32 @p1 $0x1;
	p0 =	seq.s32 s7, s2  }
0x1e: {  	s7 =	smul.u32 @!p0 $0xF7A, s2;
	p2 =	seq.s32 @!p0 s5, $0x0  }
0x1f: {  	s9 =	smul.u32 $0xF7A, s1;
	s8 =	simm.s32 @!p0 $0x1BF5;
	p2 =	por !p2, p0  }
0x20: {  	[sflag:s8] =	ssyncset.s32 @!p0 $0xFFFFF086;
	s6 =	sadd.s32 @!p0 s3, s7;
	s7 =	simm.s32 @!p0 $0x108  }
0x21: {  	s3 =	sadd.s32 s3, s9;
	s6 =	sadd.s32 @!p0 $0x88, s6;
	s7 =	simm.s32 @p2 $0x1082  }
0x22: {  	[simem:s7], [sflag:s8] =	dma.local @!p0 [hbm:s6], $0xF7A  }
0x23: {  	s9 =	sor.u32 $0xD0000000, s2;
	s6 =	simm.s32 $0x108;
	_ =	swait.ge @!p0 [sflag:s8], $0x0  }
0x24: {  	s3 =	sadd.s32 $0x88, s3;
	s6 =	simm.s32 @!p1 $0x1082;
	[sflag:s4] =	ssyncset.s32 $0xFFFFF086  }
0x25: {  	[simem:s6], [sflag:s4] =	dma.local [hbm:s3], $0xF7A  }
0x26: {  	[smem:$0x3F9F] =	sst s1;
	(tag) =	ssettag s2;
	_ =	strace s9  }
0x27: {  	s1 =	sld [smem:$0x3FAF]  }
0x28: {  	s2 =	sld [smem:$0x3FB0]  }
0x29: {  	s4 =	sld [smem:$0x3FB2]  }
0x2a: {  	p0 =	seq.s32 s5, $0x0;
	s5 =	sld [smem:$0x3FB3]  }
0x2b: {  	s6 =	sld [smem:$0x3FB4]  }
0x2c: {  	s7 =	sld [smem:$0x3FB5]  }
0x2d: {  	s3 =	simm.s32 $0x108;
	s8 =	sld [smem:$0x3FB6]  }
0x2e: {  	s3 =	simm.s32 @!p0 $0x1082;
	s9 =	sld [smem:$0x3FB7]  }
0x2f: {  	lr =	sadd.s32 s0, s3;
	s0 =	sld [smem:$0x3FAE]  }
0x30: {  	s3 =	sld [smem:$0x3FB1]  }
0x31: {  	[smem:$0x3FBA] =	sst s10  }
0x32: {  	s10 =	sld [smem:$0x3FB8];
	_ =	sdelay $0x3  }
0x33: {  	p0 =	seq.s32 s10, $0x1;
	s10 =	sld [smem:$0x3FBA];
	_ =	sdelay $0x3  }
0x34: {  	[smem:$0x3FBA] =	sst s10  }
0x35: {  	s10 =	sld [smem:$0x3FB9];
	_ =	sdelay $0x3  }
0x36: {  	p1 =	seq.s32 s10, $0x1;
	s10 =	sld [smem:$0x3FBA];
	_ =	sdelay $0x3  }
0x37: {  	[smem:$0x3FBA] =	sst s10  }
0x38: {  	s10 =	sld [smem:$0x3FBB]  }
0x39: {  	_ = 	snop;
	(pc) =	sbr.ind lr, $3  }
0x3a: {  	_ = 	snop  }
0x3b: {  	_ = 	snop  }
0x3c: {  	p2 =	seq.s32 s10, $0x1;
	s10 =	sld [smem:$0x3FBA]  }
0x3d: {  	_ =	shalt  }
0x3e: {  	_ =	shalt  }
0x3f: {  	_ =	shalt  }
0x40: {  	_ =	shalt  }
0x41: {  	_ =	shalt  }
0x42: {  	_ =	shalt  }
0x43: {  	_ =	shalt  }
0x44: {  	_ =	shalt  }
0x45: {  	_ =	shalt  }
0x46: {  	_ =	shalt  }
0x47: {  	_ =	shalt  }
0x48: {  	_ =	shalt  }
0x49: {  	_ =	shalt  }
0x4a: {  	_ =	shalt  }
0x4b: {  	_ =	shalt  }
0x4c: {  	_ =	shalt  }
0x4d: {  	_ =	shalt  }
0x4e: {  	_ =	shalt  }
0x4f: {  	_ =	shalt  }
0x50: {  	_ =	shalt  }
0x51: {  	_ =	shalt  }
0x52: {  	_ =	shalt  }
0x53: {  	_ =	shalt  }
0x54: {  	_ =	shalt  }
0x55: {  	_ =	shalt  }
0x56: {  	_ =	shalt  }
0x57: {  	_ =	shalt  }
0x58: {  	_ =	shalt  }
0x59: {  	_ =	shalt  }
0x5a: {  	_ =	shalt  }
0x5b: {  	_ =	shalt  }
0x5c: {  	_ =	shalt  }
0x5d: {  	_ =	shalt  }
0x5e: {  	_ =	shalt  }
0x5f: {  	_ =	shalt  }
0x60: {  	_ =	shalt  }
0x61: {  	_ =	shalt  }
0x62: {  	_ =	shalt  }
0x63: {  	_ =	shalt  }
0x64: {  	_ =	shalt  }
0x65: {  	_ =	shalt  }
0x66: {  	_ =	shalt  }
0x67: {  	_ =	shalt  }
0x68: {  	_ =	shalt  }
0x69: {  	_ =	shalt  }
0x6a: {  	_ =	shalt  }
0x6b: {  	_ =	shalt  }
0x6c: {  	_ =	shalt  }
0x6d: {  	_ =	shalt  }
0x6e: {  	_ =	shalt  }
0x6f: {  	_ =	shalt  }
0x70: {  	_ =	shalt  }
0x71: {  	_ =	shalt  }
0x72: {  	_ =	shalt  }
0x73: {  	_ =	shalt  }
0x74: {  	_ =	shalt  }
0x75: {  	_ =	shalt  }
0x76: {  	_ =	shalt  }
0x77: {  	_ =	shalt  }
0x78: {  	_ =	shalt  }
0x79: {  	_ =	shalt  }
0x7a: {  	_ =	shalt  }
0x7b: {  	_ =	shalt  }
0x7c: {  	_ =	shalt  }
0x7d: {  	_ =	shalt  }
0x7e: {  	_ =	shalt  }
0x7f: {  	_ =	shalt  }
0x80: {  	_ =	shalt  }
0x81: {  	_ =	shalt  }
0x82: {  	_ =	shalt  }
0x83: {  	_ =	shalt  }
0x84: {  	_ =	shalt  }
0x85: {  	_ =	shalt  }
0x86: {  	_ =	shalt  }
0x87: {  	_ =	shalt  }
.Lfunc_end0:
.L_simem_size_0:
called_computation_lowered:
.L_overlay_start_0:
0x88: {  	s2 =	sld [smem:$0x3FD9]  }
0x89: {  	s3 =	sld [smem:$0x3FFE];
	_ =	sdelay $0x1  }
0x8a: {  	s1 =	srdreg.scid  }
0x8b: {  	s0 =	sand.u32 $0x1, s1  }
0x8c: {  	s18 =	sshll.u32 s0, $0xA;
	s2 =	sadd.s32 s3, s2  }
0x8d: {  	s2 =	sadd.s32 s2, s18  }
0x8e: {  	[smem:$0x3FC6] =	sst s2  }
0x8f: {  	_ = 	snop  }
0x90: {  	s2 =	sld [smem:$0x3FC9]  }
0x91: {  	s19 =	sld [smem:$0x3FD0];
	(tm) =	ssettm $0x1  }
0x92: {  	s4 =	sld [smem:$0x3FFB];
	_ =	sdelay $0x3  }
0x93: {  	_ =	strace s4  }
0x94: {  	s4 =	sld [smem:$0x3FFC];
	_ =	sdelay $0x3  }
0x95: {  	_ =	strace s4  }
0x96: {  	s4 =	sld [smem:$0x3FFD];
	_ =	sdelay $0x3  }
0x97: {  	_ =	strace s4  }
0x98: {  	_ =	strace $0x8FFFFFFF  }
0x99: {  	s20 =	sld [smem:$0x3FDB];
	_ =	sdelay $0x1  }
0x9a: {  	s5 =	simm.s32 $_scs_section_size  }
0x9b: {  	s6 =	simm.s32 $_size__tile_overlayer_lowered;
	s7 =	simm.s32 $_tile_overlayer_lowered  }
0x9c: {  	s23 =	simm.s32 $0x1BFF;
	s22 =	sshll.u32 s7, $0x1;
	s4 =	sadd.s32 s5, s20  }
0x9d: {  	s8 =	simm.s32 $0x0;
	s21 =	sshll.u32 s6, $0x1;
	s6 =	sadd.s32 s22, s4  }
0x9e: {  	[timem:s8], [sflag:s23] =	dma.local [hbm:s6], s21  }
0x9f: {  	_ =	swait.ge [sflag:s23], s21  }
0xa0: {  	s5 =	ssub.s32 $0x0, s21;
	[sflag:s23] =	ssyncset.done $0x0  }
0xa1: {  	[sflag:s23] =	ssyncadd.s32 s5;
	_ =	sdelay $0x1  }
0xa2: {  	s24 =	simm.s32 $0x1B8B  }
0xa3: {  	_ =	swait.ge [sflag:s24], $0x1  }
0xa4: {  	[sflag:s24] =	ssyncset.done $0x0  }
0xa5: {  	s25 =	simm.s32 $0x1B8E;
	[sflag:s24] =	ssyncadd.s32 $0xFFFFFFFF  }
0xa6: {  	s26 =	simm.s32 $execute0_lowered;
	[smem:$0x3FD2] =	sst s25  }
0xa7: {  	s5 =	sshll.u32 s26, $0x1;
	_ =	strace $0x80000046;
	[dreg:$0x1] =	wrdreg $0xFFFFFFFF  }
0xa8: {  	s28 =	simm.s32 $_size_execute0_lowered;
	s4 =	sadd.s32 s4, s5;
	[dreg:$0x0] =	wrdreg $0x0  }
0xa9: {  	s5 =	sshll.u32 s28, $0x1;
	[dreg:$0x2] =	wrdreg s4  }
0xaa: {  	[dreg:$0x3] =	wrdreg s5  }
0xab: {  	[dreg:$0x4] =	wrdreg $0xC0  }
0xac: {  	_ =	task [dreg:s8], $0x5FFFF  }
0xad: {  	[dreg:$0x1] =	wrdreg $0xFFFFFFFF  }
0xae: {  	[dreg:$0x0] =	wrdreg $0x60  }
0xaf: {  	[dreg:$0x2] =	wrdreg s2  }
0xb0: {  	[dreg:$0x3] =	wrdreg s19  }
0xb1: {  	[dreg:$0x4] =	wrdreg $0x9  }
0xb2: {  	_ =	task.clear_ibuf [dreg:s8], $0x5FFFF;
	_ =	strace $0x90000046  }
0xb3: {  	s29 =	simm.s32 $0x9;
	_ =	strace $0x80000048  }
0xb4: {  	_ =	swait.ge [sflag:s29], $0x1  }
0xb5: {  	[sflag:s29] =	ssyncadd.s32 $0xFFFFFFFF  }
0xb6: {  	_ =	strace $0x90000048  }
0xb7: {  	_ =	sfence  }
0xb8: {  	s30 =	sld [smem:$0x0];
	_ =	sdelay $0x2  }
0xb9: {  	s31 =	sshll.u32 s1, $0xD;
	s1 =	sshrl.u32 s1, $0x2  }
0xba: {  	s3 =	sand.u32 $0x4000, s31;
	s1 =	sadd.s32 s1, s30  }
0xbb: {  	s0 =	sor.u32 s3, s0;
	s1 =	sshll.u32 s1, $0x11  }
0xbc: {  	s0 =	sor.u32 s1, s0  }
0xbd: {  	s0 =	sadd.s32 $0x8F2B, s0  }
0xbe: {  	[sflag:s0] =	ssyncadd.remote.s32 $0x1  }
0xbf: {  	_ =	sfence.sel $0xFFFF  }
0xc0: {  	[dreg:$0x0] =	wrdreg $0xFFFFFFFF;
	(pc) =	sbr.abs _section_cstart, $3  }
0xc1: {  	[dreg:$0x1] =	wrdreg $0xFFFFFFFF  }
0xc2: {  	_ =	task.clear_ibuf [dreg:s8], $0x2FFFF;
	_ =	strace $0x9FFFFFFF  }
0xc3: {  	(tm) =	ssettm $0x7FFFFFFF  }
tec
execute0_lowered:
.L_overlay_start_1:
0x0: {  	(tag) =	ssettag $0x1  }
0x1: {  	s3 =	rddreg [dreg:$0x0];
	s0 =	srdreg.scid  }
0x2: {  	s4 =	rddreg [dreg:$0x1];
	s1 =	stileid.u32;
	s0 =	sand.u32 $0x1, s0  }
0x3: {  	s2 =	simm.s32 $0x0;
	s5 =	sshll.u32 s1, $0xB;
	s6 =	sshll.u32 s0, $0xA  }
0x4: {  	[smem:$0x7FF] =	sst s2;
	s5 =	sor.u32 s6, s5  }
0x5: {  	_ =	strace $0x80000047;
	s6 =	sadd.s32 s3, s5;
	s7 =	sor.u32 $0x8000, s5  }
0x6: {  	s8 =	sor.u32 $0x10000, s5;
	[dreg:$0x3] =	wrdreg s6;
	s1 =	sadd.s32 s3, s7  }
0x7: {  	s3 =	sadd.s32 s3, s8;
	[dreg:$0x4] =	wrdreg s1  }
0x8: {  	s7 =	sadd.s32 s4, s7;
	[dreg:$0x5] =	wrdreg s3  }
0x9: {  	[dreg:$0x6] =	wrdreg s7  }
0xa: {  	s3 =	sadd.s32 s4, s5;
	s4 =	sadd.s32 s4, s8;
	s15 =	rddreg [dreg:$0x3]  }
0xb: {  	[dreg:$0x7] =	wrdreg s4;
	s9 =	sadd.s32 $0x18000, s3  }
0xc: {  	[tilespmem:s2], [sflag:$0x1] =	stream.linear.gather [hbm4b:s15+s2], $0x2000, $0x38;
	[tilespmem:$0xA000] =	vst v63  }
0xd: {  	s10 =	sadd.s32 $0x20000, s3;
	[dreg:$0x8] =	wrdreg s9  }
0xe: {  	s11 =	sadd.s32 $0x28000, s3;
	[dreg:$0x9] =	wrdreg s10  }
0xf: {  	s12 =	sadd.s32 $0x30000, s3;
	[dreg:$0xa] =	wrdreg s11  }
0x10: {  	s13 =	sadd.s32 $0x38000, s3;
	[dreg:$0xb] =	wrdreg s12  }
0x11: {  	s14 =	sadd.s32 $0x40000, s3;
	[dreg:$0xc] =	wrdreg s13  }
0x12: {  	s16 =	sadd.s32 $0x48000, s3;
	[dreg:$0xd] =	wrdreg s14  }
0x13: {  	s4 =	simm.s32 $0x1;
	[dreg:$0xe] =	wrdreg s16  }
0x14: {  	_ =	swait.ge [sflag:s4], $0x2000  }
0x15: {  	[sflag:s4] =	ssyncset.done $0x0  }
0x16: {  	s5 =	simm.s32 $0x2000;
	s17 =	rddreg [dreg:$0x4];
	[sflag:s4] =	ssyncadd.s32 $0xFFFFE000  }
0x17: {  	[tilespmem:s5], [sflag:$0x1] =	stream.linear.gather [hbm4b:s17+s2], $0x2000, $0x38;
	[tilespmem:$0xA000] =	vst v63  }
0x18: {  	_ =	swait.ge [sflag:s4], $0x2000  }
0x19: {  	[sflag:s4] =	ssyncset.done $0x0  }
0x1a: {  	s6 =	simm.s32 $0x4000;
	s18 =	rddreg [dreg:$0x5];
	[sflag:s4] =	ssyncadd.s32 $0xFFFFE000  }
0x1b: {  	[tilespmem:s6], [sflag:$0x1] =	stream.linear.gather [hbm4b:s18+s2], $0x2000, $0x38;
	[tilespmem:$0xA000] =	vst v63  }
0x1c: {  	_ =	swait.ge [sflag:s4], $0x2000  }
0x1d: {  	[sflag:s4] =	ssyncset.done $0x0  }
0x1e: {  	s7 =	simm.s32 $0x6000;
	[sflag:s4] =	ssyncadd.s32 $0xFFFFE000  }
0x1f: {  	[hbm4b:s3+s2] =	stream.linear.scatter [tilespmem:s7], [sflag:$0x1], $0x2000, $0x38;
	[tilespmem:$0xA000] =	vst v63  }
0x20: {  	_ =	swait.ge [sflag:s4], $0x2000  }
0x21: {  	[sflag:s4] =	ssyncset.done $0x0  }
0x22: {  	s8 =	simm.s32 $0x8000;
	s9 =	rddreg [dreg:$0x6];
	[sflag:s4] =	ssyncadd.s32 $0xFFFFE000  }
0x23: {  	[hbm4b:s9+s2] =	stream.linear.scatter [tilespmem:s8], [sflag:$0x1], $0x2000, $0x38;
	[tilespmem:$0xA000] =	vst v63  }
0x24: {  	_ =	swait.ge [sflag:s4], $0x2000  }
0x25: {  	[sflag:s4] =	ssyncset.done $0x0  }
0x26: {  	s19 =	rddreg [dreg:$0x7];
	[sflag:s4] =	ssyncadd.s32 $0xFFFFE000  }
0x27: {  	[hbm4b:s19+s2] =	stream.linear.scatter [tilespmem:s7], [sflag:$0x1], $0x2000, $0x38;
	[tilespmem:$0xA000] =	vst v63  }
0x28: {  	_ =	swait.ge [sflag:s4], $0x2000  }
0x29: {  	[sflag:s4] =	ssyncset.done $0x0  }
0x2a: {  	s20 =	rddreg [dreg:$0x8];
	[sflag:s4] =	ssyncadd.s32 $0xFFFFE000  }
0x2b: {  	[hbm4b:s20+s2] =	stream.linear.scatter [tilespmem:s8], [sflag:$0x1], $0x2000, $0x38;
	[tilespmem:$0xA000] =	vst v63  }
0x2c: {  	_ =	swait.ge [sflag:s4], $0x2000  }
0x2d: {  	[sflag:s4] =	ssyncset.done $0x0  }
0x2e: {  	s21 =	rddreg [dreg:$0x9];
	[sflag:s4] =	ssyncadd.s32 $0xFFFFE000  }
0x2f: {  	[hbm4b:s21+s2] =	stream.linear.scatter [tilespmem:s7], [sflag:$0x1], $0x2000, $0x38;
	[tilespmem:$0xA000] =	vst v63  }
0x30: {  	_ =	swait.ge [sflag:s4], $0x2000  }
0x31: {  	[sflag:s4] =	ssyncset.done $0x0  }
0x32: {  	s22 =	rddreg [dreg:$0xa];
	[sflag:s4] =	ssyncadd.s32 $0xFFFFE000  }
0x33: {  	[hbm4b:s22+s2] =	stream.linear.scatter [tilespmem:s8], [sflag:$0x1], $0x2000, $0x38;
	[tilespmem:$0xA000] =	vst v63  }
0x34: {  	_ =	swait.ge [sflag:s4], $0x2000  }
0x35: {  	[sflag:s4] =	ssyncset.done $0x0  }
0x36: {  	s23 =	rddreg [dreg:$0xb];
	[sflag:s4] =	ssyncadd.s32 $0xFFFFE000  }
0x37: {  	[hbm4b:s23+s2] =	stream.linear.scatter [tilespmem:s7], [sflag:$0x1], $0x2000, $0x38;
	[tilespmem:$0xA000] =	vst v63  }
0x38: {  	_ =	swait.ge [sflag:s4], $0x2000  }
0x39: {  	[sflag:s4] =	ssyncset.done $0x0  }
0x3a: {  	s24 =	rddreg [dreg:$0xc];
	[sflag:s4] =	ssyncadd.s32 $0xFFFFE000  }
0x3b: {  	[hbm4b:s24+s2] =	stream.linear.scatter [tilespmem:s8], [sflag:$0x1], $0x2000, $0x38;
	[tilespmem:$0xA000] =	vst v63  }
0x3c: {  	_ =	swait.ge [sflag:s4], $0x2000  }
0x3d: {  	[sflag:s4] =	ssyncset.done $0x0  }
0x3e: {  	s25 =	rddreg [dreg:$0xd];
	[sflag:s4] =	ssyncadd.s32 $0xFFFFE000  }
0x3f: {  	[hbm4b:s25+s2] =	stream.linear.scatter [tilespmem:s7], [sflag:$0x1], $0x2000, $0x38;
	[tilespmem:$0xA000] =	vst v63  }
0x40: {  	_ =	swait.ge [sflag:s4], $0x2000  }
0x41: {  	[sflag:s4] =	ssyncset.done $0x0  }
0x42: {  	s26 =	rddreg [dreg:$0xe];
	[sflag:s4] =	ssyncadd.s32 $0xFFFFE000  }
0x43: {  	[hbm4b:s26+s2] =	stream.linear.scatter [tilespmem:s8], [sflag:$0x1], $0x2000, $0x38;
	[tilespmem:$0xA000] =	vst v63  }
0x44: {  	_ =	swait.ge [sflag:s4], $0x2000  }
0x45: {  	[sflag:s4] =	ssyncset.done $0x0  }
0x46: {  	s9 =	sadd.s32 $0x50000, s3;
	[sflag:s4] =	ssyncadd.s32 $0xFFFFE000  }
0x47: {  	[hbm4b:s9+s2] =	stream.linear.scatter [tilespmem:s7], [sflag:$0x1], $0x2000, $0x38;
	[tilespmem:$0xA000] =	vst v63  }
0x48: {  	_ =	swait.ge [sflag:s4], $0x2000  }
0x49: {  	[sflag:s4] =	ssyncset.done $0x0  }
0x4a: {  	s10 =	sadd.s32 $0x58000, s3;
	[sflag:s4] =	ssyncadd.s32 $0xFFFFE000  }
0x4b: {  	[hbm4b:s10+s2] =	stream.linear.scatter [tilespmem:s8], [sflag:$0x1], $0x2000, $0x38;
	[tilespmem:$0xA000] =	vst v63  }
0x4c: {  	_ =	swait.ge [sflag:s4], $0x2000  }
0x4d: {  	[sflag:s4] =	ssyncset.done $0x0  }
0x4e: {  	s11 =	sadd.s32 $0x60000, s3;
	[sflag:s4] =	ssyncadd.s32 $0xFFFFE000  }
0x4f: {  	[hbm4b:s11+s2] =	stream.linear.scatter [tilespmem:s7], [sflag:$0x1], $0x2000, $0x38;
	[tilespmem:$0xA000] =	vst v63  }
0x50: {  	_ =	swait.ge [sflag:s4], $0x2000  }
0x51: {  	[sflag:s4] =	ssyncset.done $0x0  }
0x52: {  	s12 =	sadd.s32 $0x68000, s3;
	[sflag:s4] =	ssyncadd.s32 $0xFFFFE000  }
0x53: {  	[hbm4b:s12+s2] =	stream.linear.scatter [tilespmem:s8], [sflag:$0x1], $0x2000, $0x38;
	[tilespmem:$0xA000] =	vst v63  }
0x54: {  	_ =	swait.ge [sflag:s4], $0x2000  }
0x55: {  	[sflag:s4] =	ssyncset.done $0x0  }
0x56: {  	s13 =	sadd.s32 $0x70000, s3;
	[sflag:s4] =	ssyncadd.s32 $0xFFFFE000  }
0x57: {  	[hbm4b:s13+s2] =	stream.linear.scatter [tilespmem:s7], [sflag:$0x1], $0x2000, $0x38;
	[tilespmem:$0xA000] =	vst v63  }
0x58: {  	_ =	swait.ge [sflag:s4], $0x2000  }
0x59: {  	[sflag:s4] =	ssyncset.done $0x0  }
0x5a: {  	s14 =	sadd.s32 $0x78000, s3;
	[sflag:s4] =	ssyncadd.s32 $0xFFFFE000  }
0x5b: {  	[hbm4b:s14+s2] =	stream.linear.scatter [tilespmem:s8], [sflag:$0x1], $0x2000, $0x38;
	[tilespmem:$0xA000] =	vst v63  }
0x5c: {  	_ =	swait.ge [sflag:s4], $0x2000  }
0x5d: {  	[sflag:s4] =	ssyncset.done $0x0  }
0x5e: {  	s15 =	sadd.s32 $0x80000, s3;
	[sflag:s4] =	ssyncadd.s32 $0xFFFFE000  }
0x5f: {  	[hbm4b:s15+s2] =	stream.linear.scatter [tilespmem:s7], [sflag:$0x1], $0x2000, $0x38;
	[tilespmem:$0xA000] =	vst v63  }
0x60: {  	_ =	swait.ge [sflag:s4], $0x2000  }
0x61: {  	[sflag:s4] =	ssyncset.done $0x0  }
0x62: {  	s16 =	sadd.s32 $0x88000, s3;
	[sflag:s4] =	ssyncadd.s32 $0xFFFFE000  }
0x63: {  	[hbm4b:s16+s2] =	stream.linear.scatter [tilespmem:s8], [sflag:$0x1], $0x2000, $0x38;
	[tilespmem:$0xA000] =	vst v63  }
0x64: {  	_ =	swait.ge [sflag:s4], $0x2000  }
0x65: {  	[sflag:s4] =	ssyncset.done $0x0  }
0x66: {  	s17 =	sadd.s32 $0x90000, s3;
	[sflag:s4] =	ssyncadd.s32 $0xFFFFE000  }
0x67: {  	[hbm4b:s17+s2] =	stream.linear.scatter [tilespmem:s7], [sflag:$0x1], $0x2000, $0x38;
	[tilespmem:$0xA000] =	vst v63  }
0x68: {  	_ =	swait.ge [sflag:s4], $0x2000  }
0x69: {  	[sflag:s4] =	ssyncset.done $0x0  }
0x6a: {  	s18 =	sadd.s32 $0x98000, s3;
	[sflag:s4] =	ssyncadd.s32 $0xFFFFE000  }
0x6b: {  	[hbm4b:s18+s2] =	stream.linear.scatter [tilespmem:s8], [sflag:$0x1], $0x2000, $0x38;
	[tilespmem:$0xA000] =	vst v63  }
0x6c: {  	_ =	swait.ge [sflag:s4], $0x2000  }
0x6d: {  	[sflag:s4] =	ssyncset.done $0x0  }
0x6e: {  	s19 =	sadd.s32 $0xA0000, s3;
	[sflag:s4] =	ssyncadd.s32 $0xFFFFE000  }
0x6f: {  	[hbm4b:s19+s2] =	stream.linear.scatter [tilespmem:s7], [sflag:$0x1], $0x2000, $0x38;
	[tilespmem:$0xA000] =	vst v63  }
0x70: {  	_ =	swait.ge [sflag:s4], $0x2000  }
0x71: {  	[sflag:s4] =	ssyncset.done $0x0  }
0x72: {  	s20 =	sadd.s32 $0xA8000, s3;
	[sflag:s4] =	ssyncadd.s32 $0xFFFFE000  }
0x73: {  	[hbm4b:s20+s2] =	stream.linear.scatter [tilespmem:s8], [sflag:$0x1], $0x2000, $0x38;
	[tilespmem:$0xA000] =	vst v63  }
0x74: {  	_ =	swait.ge [sflag:s4], $0x2000  }
0x75: {  	[sflag:s4] =	ssyncset.done $0x0  }
0x76: {  	s21 =	sadd.s32 $0xB0000, s3;
	[sflag:s4] =	ssyncadd.s32 $0xFFFFE000  }
0x77: {  	[hbm4b:s21+s2] =	stream.linear.scatter [tilespmem:s7], [sflag:$0x1], $0x2000, $0x38;
	[tilespmem:$0xA000] =	vst v63  }
0x78: {  	_ =	swait.ge [sflag:s4], $0x2000  }
0x79: {  	[sflag:s4] =	ssyncset.done $0x0  }
0x7a: {  	s22 =	sadd.s32 $0xB8000, s3;
	[sflag:s4] =	ssyncadd.s32 $0xFFFFE000  }
0x7b: {  	[hbm4b:s22+s2] =	stream.linear.scatter [tilespmem:s8], [sflag:$0x1], $0x2000, $0x38;
	[tilespmem:$0xA000] =	vst v63  }
0x7c: {  	_ =	swait.ge [sflag:s4], $0x2000  }
0x7d: {  	[sflag:s4] =	ssyncset.done $0x0  }
0x7e: {  	s23 =	sadd.s32 $0xC0000, s3;
	[sflag:s4] =	ssyncadd.s32 $0xFFFFE000  }
0x7f: {  	[hbm4b:s23+s2] =	stream.linear.scatter [tilespmem:s7], [sflag:$0x1], $0x2000, $0x38;
	[tilespmem:$0xA000] =	vst v63  }
0x80: {  	_ =	swait.ge [sflag:s4], $0x2000  }
0x81: {  	[sflag:s4] =	ssyncset.done $0x0  }
0x82: {  	s24 =	sadd.s32 $0xC8000, s3;
	[sflag:s4] =	ssyncadd.s32 $0xFFFFE000  }
0x83: {  	[hbm4b:s24+s2] =	stream.linear.scatter [tilespmem:s8], [sflag:$0x1], $0x2000, $0x38;
	[tilespmem:$0xA000] =	vst v63  }
0x84: {  	_ =	swait.ge [sflag:s4], $0x2000  }
0x85: {  	[sflag:s4] =	ssyncset.done $0x0  }
0x86: {  	s25 =	sadd.s32 $0xD0000, s3;
	[sflag:s4] =	ssyncadd.s32 $0xFFFFE000  }
0x87: {  	[hbm4b:s25+s2] =	stream.linear.scatter [tilespmem:s7], [sflag:$0x1], $0x2000, $0x38;
	[tilespmem:$0xA000] =	vst v63  }
0x88: {  	_ =	swait.ge [sflag:s4], $0x2000  }
0x89: {  	[sflag:s4] =	ssyncset.done $0x0  }
0x8a: {  	s26 =	sadd.s32 $0xD8000, s3;
	[sflag:s4] =	ssyncadd.s32 $0xFFFFE000  }
0x8b: {  	[hbm4b:s26+s2] =	stream.linear.scatter [tilespmem:s8], [sflag:$0x1], $0x2000, $0x38;
	[tilespmem:$0xA000] =	vst v63  }
0x8c: {  	_ =	swait.ge [sflag:s4], $0x2000  }
0x8d: {  	[sflag:s4] =	ssyncset.done $0x0  }
0x8e: {  	s28 =	sadd.s32 $0xE0000, s3;
	[sflag:s4] =	ssyncadd.s32 $0xFFFFE000  }
0x8f: {  	[hbm4b:s28+s2] =	stream.linear.scatter [tilespmem:s7], [sflag:$0x1], $0x2000, $0x38;
	[tilespmem:$0xA000] =	vst v63  }
0x90: {  	_ =	swait.ge [sflag:s4], $0x2000  }
0x91: {  	s0 =	ssub.s32 $0x2, s0;
	[sflag:s4] =	ssyncset.done $0x0  }
0x92: {  	s31 =	sshrl.u32 s0, $0x1;
	s29 =	sadd.s32 $0xE8000, s3;
	[sflag:s4] =	ssyncadd.s32 $0xFFFFE000  }
0x93: {  	[hbm4b:s29+s2] =	stream.linear.scatter [tilespmem:s8], [sflag:$0x1], $0x2000, $0x38;
	[tilespmem:$0xA000] =	vst v63  }
0x94: {  	s0 =	ssub.s32 s0, s31;
	_ =	swait.ge [sflag:s4], $0x2000  }
0x95: {  	s0 =	smax.u32 s0, $0x1;
	[sflag:s4] =	ssyncset.done $0x0  }
0x96: {  	p0 =	sne.s32 s0, $0x1;
	s30 =	sadd.s32 $0xF0000, s3;
	[sflag:s4] =	ssyncadd.s32 $0xFFFFE000  }
0x97: {  	[hbm4b:s30+s2] =	stream.linear.scatter [tilespmem:s7], [sflag:$0x1], $0x2000, $0x38;
	[tilespmem:$0xA000] =	vst v63  }
.Ltmp0:
0x98: {  	_ =	swait.ge [sflag:s4], $0x2000;
	(pc) =	sbr.rel @!p0 .LBB2_2-.Ltmp0, $4  }
0x99: {  	[sflag:s4] =	ssyncset.done $0x0  }
0x9a: {  	s31 =	sadd.s32 $0xF8000, s3;
	[sflag:s4] =	ssyncadd.s32 $0xFFFFE000  }
0x9b: {  	[hbm4b:s31+s2] =	stream.linear.scatter [tilespmem:s8], [sflag:$0x1], $0x2000, $0x38;
	[tilespmem:$0xA000] =	vst v63  }
0x9c: {  	s0 =	sadd.s32 $0xFFFFFFFF, s0;
	_ =	swait.ge [sflag:s4], $0x2000  }
.LBB2_1:
0x9d: {  	[sflag:s4] =	ssyncset.done $0x0  }
0x9e: {  	s1 =	rddreg [dreg:$0x3];
	[sflag:s4] =	ssyncadd.s32 $0xFFFFE000  }
0x9f: {  	[tilespmem:s2], [sflag:$0x1] =	stream.linear.gather [hbm4b:s1+s2], $0x2000, $0x38;
	[tilespmem:$0xA000] =	vst v63  }
0xa0: {  	_ =	swait.ge [sflag:s4], $0x2000  }
0xa1: {  	[sflag:s4] =	ssyncset.done $0x0  }
0xa2: {  	s1 =	rddreg [dreg:$0x4];
	[sflag:s4] =	ssyncadd.s32 $0xFFFFE000  }
0xa3: {  	[tilespmem:s5], [sflag:$0x1] =	stream.linear.gather [hbm4b:s1+s2], $0x2000, $0x38;
	[tilespmem:$0xA000] =	vst v63  }
0xa4: {  	_ =	swait.ge [sflag:s4], $0x2000  }
0xa5: {  	[sflag:s4] =	ssyncset.done $0x0  }
0xa6: {  	s1 =	rddreg [dreg:$0x5];
	[sflag:s4] =	ssyncadd.s32 $0xFFFFE000  }
0xa7: {  	[tilespmem:s6], [sflag:$0x1] =	stream.linear.gather [hbm4b:s1+s2], $0x2000, $0x38;
	[tilespmem:$0xA000] =	vst v63  }
0xa8: {  	_ =	swait.ge [sflag:s4], $0x2000  }
0xa9: {  	[sflag:s4] =	ssyncset.done $0x0  }
0xaa: {  	[sflag:s4] =	ssyncadd.s32 $0xFFFFE000  }
0xab: {  	[hbm4b:s3+s2] =	stream.linear.scatter [tilespmem:s7], [sflag:$0x1], $0x2000, $0x38;
	[tilespmem:$0xA000] =	vst v63  }
0xac: {  	_ =	swait.ge [sflag:s4], $0x2000  }
0xad: {  	[sflag:s4] =	ssyncset.done $0x0  }
0xae: {  	s1 =	rddreg [dreg:$0x6];
	[sflag:s4] =	ssyncadd.s32 $0xFFFFE000  }
0xaf: {  	[hbm4b:s1+s2] =	stream.linear.scatter [tilespmem:s8], [sflag:$0x1], $0x2000, $0x38;
	[tilespmem:$0xA000] =	vst v63  }
0xb0: {  	_ =	swait.ge [sflag:s4], $0x2000  }
0xb1: {  	[sflag:s4] =	ssyncset.done $0x0  }
0xb2: {  	s1 =	rddreg [dreg:$0x7];
	[sflag:s4] =	ssyncadd.s32 $0xFFFFE000  }
0xb3: {  	[hbm4b:s1+s2] =	stream.linear.scatter [tilespmem:s7], [sflag:$0x1], $0x2000, $0x38;
	[tilespmem:$0xA000] =	vst v63  }
0xb4: {  	_ =	swait.ge [sflag:s4], $0x2000  }
0xb5: {  	[sflag:s4] =	ssyncset.done $0x0  }
0xb6: {  	s1 =	rddreg [dreg:$0x8];
	[sflag:s4] =	ssyncadd.s32 $0xFFFFE000  }
0xb7: {  	[hbm4b:s1+s2] =	stream.linear.scatter [tilespmem:s8], [sflag:$0x1], $0x2000, $0x38;
	[tilespmem:$0xA000] =	vst v63  }
0xb8: {  	_ =	swait.ge [sflag:s4], $0x2000  }
0xb9: {  	[sflag:s4] =	ssyncset.done $0x0  }
0xba: {  	s1 =	rddreg [dreg:$0x9];
	[sflag:s4] =	ssyncadd.s32 $0xFFFFE000  }
0xbb: {  	[hbm4b:s1+s2] =	stream.linear.scatter [tilespmem:s7], [sflag:$0x1], $0x2000, $0x38;
	[tilespmem:$0xA000] =	vst v63  }
0xbc: {  	_ =	swait.ge [sflag:s4], $0x2000  }
0xbd: {  	[sflag:s4] =	ssyncset.done $0x0  }
0xbe: {  	s1 =	rddreg [dreg:$0xa];
	[sflag:s4] =	ssyncadd.s32 $0xFFFFE000  }
0xbf: {  	[hbm4b:s1+s2] =	stream.linear.scatter [tilespmem:s8], [sflag:$0x1], $0x2000, $0x38;
	[tilespmem:$0xA000] =	vst v63  }
0xc0: {  	_ =	swait.ge [sflag:s4], $0x2000  }
0xc1: {  	[sflag:s4] =	ssyncset.done $0x0  }
0xc2: {  	s1 =	rddreg [dreg:$0xb];
	[sflag:s4] =	ssyncadd.s32 $0xFFFFE000  }
0xc3: {  	[hbm4b:s1+s2] =	stream.linear.scatter [tilespmem:s7], [sflag:$0x1], $0x2000, $0x38;
	[tilespmem:$0xA000] =	vst v63  }
0xc4: {  	_ =	swait.ge [sflag:s4], $0x2000  }
0xc5: {  	[sflag:s4] =	ssyncset.done $0x0  }
0xc6: {  	s1 =	rddreg [dreg:$0xc];
	[sflag:s4] =	ssyncadd.s32 $0xFFFFE000  }
0xc7: {  	[hbm4b:s1+s2] =	stream.linear.scatter [tilespmem:s8], [sflag:$0x1], $0x2000, $0x38;
	[tilespmem:$0xA000] =	vst v63  }
0xc8: {  	_ =	swait.ge [sflag:s4], $0x2000  }
0xc9: {  	[sflag:s4] =	ssyncset.done $0x0  }
0xca: {  	s1 =	rddreg [dreg:$0xd];
	[sflag:s4] =	ssyncadd.s32 $0xFFFFE000  }
0xcb: {  	[hbm4b:s1+s2] =	stream.linear.scatter [tilespmem:s7], [sflag:$0x1], $0x2000, $0x38;
	[tilespmem:$0xA000] =	vst v63  }
0xcc: {  	_ =	swait.ge [sflag:s4], $0x2000  }
0xcd: {  	[sflag:s4] =	ssyncset.done $0x0  }
0xce: {  	s1 =	rddreg [dreg:$0xe];
	[sflag:s4] =	ssyncadd.s32 $0xFFFFE000  }
0xcf: {  	[hbm4b:s1+s2] =	stream.linear.scatter [tilespmem:s8], [sflag:$0x1], $0x2000, $0x38;
	[tilespmem:$0xA000] =	vst v63  }
0xd0: {  	_ =	swait.ge [sflag:s4], $0x2000  }
0xd1: {  	[sflag:s4] =	ssyncset.done $0x0  }
0xd2: {  	[sflag:s4] =	ssyncadd.s32 $0xFFFFE000  }
0xd3: {  	[hbm4b:s9+s2] =	stream.linear.scatter [tilespmem:s7], [sflag:$0x1], $0x2000, $0x38;
	[tilespmem:$0xA000] =	vst v63  }
0xd4: {  	_ =	swait.ge [sflag:s4], $0x2000  }
0xd5: {  	[sflag:s4] =	ssyncset.done $0x0  }
0xd6: {  	[sflag:s4] =	ssyncadd.s32 $0xFFFFE000  }
0xd7: {  	[hbm4b:s10+s2] =	stream.linear.scatter [tilespmem:s8], [sflag:$0x1], $0x2000, $0x38;
	[tilespmem:$0xA000] =	vst v63  }
0xd8: {  	_ =	swait.ge [sflag:s4], $0x2000  }
0xd9: {  	[sflag:s4] =	ssyncset.done $0x0  }
0xda: {  	[sflag:s4] =	ssyncadd.s32 $0xFFFFE000  }
0xdb: {  	[hbm4b:s11+s2] =	stream.linear.scatter [tilespmem:s7], [sflag:$0x1], $0x2000, $0x38;
	[tilespmem:$0xA000] =	vst v63  }
0xdc: {  	_ =	swait.ge [sflag:s4], $0x2000  }
0xdd: {  	[sflag:s4] =	ssyncset.done $0x0  }
0xde: {  	[sflag:s4] =	ssyncadd.s32 $0xFFFFE000  }
0xdf: {  	[hbm4b:s12+s2] =	stream.linear.scatter [tilespmem:s8], [sflag:$0x1], $0x2000, $0x38;
	[tilespmem:$0xA000] =	vst v63  }
0xe0: {  	_ =	swait.ge [sflag:s4], $0x2000  }
0xe1: {  	[sflag:s4] =	ssyncset.done $0x0  }
0xe2: {  	[sflag:s4] =	ssyncadd.s32 $0xFFFFE000  }
0xe3: {  	[hbm4b:s13+s2] =	stream.linear.scatter [tilespmem:s7], [sflag:$0x1], $0x2000, $0x38;
	[tilespmem:$0xA000] =	vst v63  }
0xe4: {  	_ =	swait.ge [sflag:s4], $0x2000  }
0xe5: {  	[sflag:s4] =	ssyncset.done $0x0  }
0xe6: {  	[sflag:s4] =	ssyncadd.s32 $0xFFFFE000  }
0xe7: {  	[hbm4b:s14+s2] =	stream.linear.scatter [tilespmem:s8], [sflag:$0x1], $0x2000, $0x38;
	[tilespmem:$0xA000] =	vst v63  }
0xe8: {  	_ =	swait.ge [sflag:s4], $0x2000  }
0xe9: {  	[sflag:s4] =	ssyncset.done $0x0  }
0xea: {  	[sflag:s4] =	ssyncadd.s32 $0xFFFFE000  }
0xeb: {  	[hbm4b:s15+s2] =	stream.linear.scatter [tilespmem:s7], [sflag:$0x1], $0x2000, $0x38;
	[tilespmem:$0xA000] =	vst v63  }
0xec: {  	_ =	swait.ge [sflag:s4], $0x2000  }
0xed: {  	[sflag:s4] =	ssyncset.done $0x0  }
0xee: {  	[sflag:s4] =	ssyncadd.s32 $0xFFFFE000  }
0xef: {  	[hbm4b:s16+s2] =	stream.linear.scatter [tilespmem:s8], [sflag:$0x1], $0x2000, $0x38;
	[tilespmem:$0xA000] =	vst v63  }
0xf0: {  	_ =	swait.ge [sflag:s4], $0x2000  }
0xf1: {  	[sflag:s4] =	ssyncset.done $0x0  }
0xf2: {  	[sflag:s4] =	ssyncadd.s32 $0xFFFFE000  }
0xf3: {  	[hbm4b:s17+s2] =	stream.linear.scatter [tilespmem:s7], [sflag:$0x1], $0x2000, $0x38;
	[tilespmem:$0xA000] =	vst v63  }
0xf4: {  	_ =	swait.ge [sflag:s4], $0x2000  }
0xf5: {  	[sflag:s4] =	ssyncset.done $0x0  }
0xf6: {  	[sflag:s4] =	ssyncadd.s32 $0xFFFFE000  }
0xf7: {  	[hbm4b:s18+s2] =	stream.linear.scatter [tilespmem:s8], [sflag:$0x1], $0x2000, $0x38;
	[tilespmem:$0xA000] =	vst v63  }
0xf8: {  	_ =	swait.ge [sflag:s4], $0x2000  }
0xf9: {  	[sflag:s4] =	ssyncset.done $0x0  }
0xfa: {  	[sflag:s4] =	ssyncadd.s32 $0xFFFFE000  }
0xfb: {  	[hbm4b:s19+s2] =	stream.linear.scatter [tilespmem:s7], [sflag:$0x1], $0x2000, $0x38;
	[tilespmem:$0xA000] =	vst v63  }
0xfc: {  	_ =	swait.ge [sflag:s4], $0x2000  }
0xfd: {  	[sflag:s4] =	ssyncset.done $0x0  }
0xfe: {  	[sflag:s4] =	ssyncadd.s32 $0xFFFFE000  }
0xff: {  	[hbm4b:s20+s2] =	stream.linear.scatter [tilespmem:s8], [sflag:$0x1], $0x2000, $0x38;
	[tilespmem:$0xA000] =	vst v63  }
0x100: {  	_ =	swait.ge [sflag:s4], $0x2000  }
0x101: {  	[sflag:s4] =	ssyncset.done $0x0  }
0x102: {  	[sflag:s4] =	ssyncadd.s32 $0xFFFFE000  }
0x103: {  	[hbm4b:s21+s2] =	stream.linear.scatter [tilespmem:s7], [sflag:$0x1], $0x2000, $0x38;
	[tilespmem:$0xA000] =	vst v63  }
0x104: {  	_ =	swait.ge [sflag:s4], $0x2000  }
0x105: {  	[sflag:s4] =	ssyncset.done $0x0  }
0x106: {  	[sflag:s4] =	ssyncadd.s32 $0xFFFFE000  }
0x107: {  	[hbm4b:s22+s2] =	stream.linear.scatter [tilespmem:s8], [sflag:$0x1], $0x2000, $0x38;
	[tilespmem:$0xA000] =	vst v63  }
0x108: {  	_ =	swait.ge [sflag:s4], $0x2000  }
0x109: {  	[sflag:s4] =	ssyncset.done $0x0  }
0x10a: {  	[sflag:s4] =	ssyncadd.s32 $0xFFFFE000  }
0x10b: {  	[hbm4b:s23+s2] =	stream.linear.scatter [tilespmem:s7], [sflag:$0x1], $0x2000, $0x38;
	[tilespmem:$0xA000] =	vst v63  }
0x10c: {  	_ =	swait.ge [sflag:s4], $0x2000  }
0x10d: {  	[sflag:s4] =	ssyncset.done $0x0  }
0x10e: {  	[sflag:s4] =	ssyncadd.s32 $0xFFFFE000  }
0x10f: {  	[hbm4b:s24+s2] =	stream.linear.scatter [tilespmem:s8], [sflag:$0x1], $0x2000, $0x38;
	[tilespmem:$0xA000] =	vst v63  }
0x110: {  	_ =	swait.ge [sflag:s4], $0x2000  }
0x111: {  	[sflag:s4] =	ssyncset.done $0x0  }
0x112: {  	[sflag:s4] =	ssyncadd.s32 $0xFFFFE000  }
0x113: {  	[hbm4b:s25+s2] =	stream.linear.scatter [tilespmem:s7], [sflag:$0x1], $0x2000, $0x38;
	[tilespmem:$0xA000] =	vst v63  }
0x114: {  	_ =	swait.ge [sflag:s4], $0x2000  }
0x115: {  	[sflag:s4] =	ssyncset.done $0x0  }
0x116: {  	[sflag:s4] =	ssyncadd.s32 $0xFFFFE000  }
0x117: {  	[hbm4b:s26+s2] =	stream.linear.scatter [tilespmem:s8], [sflag:$0x1], $0x2000, $0x38;
	[tilespmem:$0xA000] =	vst v63  }
0x118: {  	_ =	swait.ge [sflag:s4], $0x2000  }
0x119: {  	[sflag:s4] =	ssyncset.done $0x0  }
0x11a: {  	[sflag:s4] =	ssyncadd.s32 $0xFFFFE000  }
0x11b: {  	[hbm4b:s28+s2] =	stream.linear.scatter [tilespmem:s7], [sflag:$0x1], $0x2000, $0x38;
	[tilespmem:$0xA000] =	vst v63  }
0x11c: {  	_ =	swait.ge [sflag:s4], $0x2000  }
0x11d: {  	[sflag:s4] =	ssyncset.done $0x0  }
0x11e: {  	[sflag:s4] =	ssyncadd.s32 $0xFFFFE000  }
0x11f: {  	[hbm4b:s29+s2] =	stream.linear.scatter [tilespmem:s8], [sflag:$0x1], $0x2000, $0x38;
	[tilespmem:$0xA000] =	vst v63  }
0x120: {  	_ =	swait.ge [sflag:s4], $0x2000  }
0x121: {  	[sflag:s4] =	ssyncset.done $0x0  }
0x122: {  	p0 =	sne.s32 s0, $0x1;
	[sflag:s4] =	ssyncadd.s32 $0xFFFFE000  }
0x123: {  	[hbm4b:s30+s2] =	stream.linear.scatter [tilespmem:s7], [sflag:$0x1], $0x2000, $0x38;
	[tilespmem:$0xA000] =	vst v63  }
.Ltmp1:
0x124: {  	_ =	swait.ge [sflag:s4], $0x2000;
	(pc) =	sbr.rel @p0 .LBB2_1-.Ltmp1, $4  }
0x125: {  	[sflag:s4] =	ssyncset.done $0x0  }
0x126: {  	[sflag:s4] =	ssyncadd.s32 $0xFFFFE000  }
0x127: {  	[hbm4b:s31+s2] =	stream.linear.scatter [tilespmem:s8], [sflag:$0x1], $0x2000, $0x38;
	[tilespmem:$0xA000] =	vst v63  }
0x128: {  	s0 =	sadd.s32 $0xFFFFFFFF, s0;
	_ =	swait.ge [sflag:s4], $0x2000  }
.LBB2_2:
0x129: {  	[sflag:s4] =	ssyncset.done $0x0  }
0x12a: {  	[sflag:s4] =	ssyncadd.s32 $0xFFFFE000  }
0x12b: {  	_ =	sfence.sel $0x180000  }
0x12c: {  	[bflag:$0x0] =	sbarrier.arrive $0xFFFF  }
0x12d: {  	_ =	strace $0x90000047  }
0x12e: {  	s0 =	stileid.u32;
	[bflag:$0x2] =	sbarrier.arrive $0xFFFF  }
0x12f: {  	p0 =	sne.s32 s0, $0x0;
	s0 =	rddreg [dreg:$0x2]  }
0x130: {  	s0 =	sadd.s32 @!p0 $0x100000, s0  }
0x131: {  	[sflag:s0] =	ssyncadd.tile.s32 @!p0 $0x1;
	_ =	shalt  }
.Lfunc_end2:
_tile_overlayer_lowered:
.L_overlay_start_2:
0x132: {  	(tag) =	ssettag $0x2  }
0x133: {  	s0 =	rddreg [dreg:$0x0];
	s2 =	stileid.u32  }
0x134: {  	s1 =	rddreg [dreg:$0x1];
	p0 =	sne.s32 s2, $0x0  }
0x135: {  	s3 =	rddreg [dreg:$0x2];
	[bflag:$0x3] =	sbarrier.arrive $0xFFFF;
	s2 =	simm.s32 @!p0 $0x1C01  }
0x136: {  	[timem:s3], [sflag:s2] =	dma.local @!p0 [hbm:s0], s1  }
0x137: {  	s0 =	simm.s32 @!p0 $0x1  }
0x138: {  	_ =	swait.ge @!p0 [sflag:s0], s1  }
0x139: {  	s1 =	ssub.s32 @!p0 $0x0, s1;
	[sflag:s0] =	ssyncset.done @!p0 $0x0  }
0x13a: {  	[sflag:s0] =	ssyncadd.s32 @!p0 s1  }
0x13b: {  	[bflag:$0x3] =	sbarrier.arrive $0xFFFF  }
0x13c: {  	_ =	shalt  }

</sc_bundles>
